<compile_context>
chip_gen: v7x
topology: tpu7x:2x2x1
jax: 0.10.2.dev20260603
libtpu: 0.0.44.dev20260713+nightly
codegen_flags: <defaults>
</compile_context>

<pallas_src>
import jax
import jax.numpy as jnp
from jax import lax
from jax.experimental import pallas as pl
from jax.experimental.pallas import tpu as pltpu
from jax.experimental.pallas import tpu_sc as plsc

B = 4096
NBITS = 8192
SYMS = 2048
OUTW = 2 * SYMS
NC, NS, L = 2, 16, 16
NW = NC * NS
RPW = B // NW
STEPS = NBITS // 64


def _dg(x, idx):
  return jnp.take_along_axis(x, idx, axis=0, mode="promise_in_bounds")


def _sc_mapper(bits_hbm, tab_hbm, out_hbm,
               bits0, bits1, out0, out1, tab_raw, tab_v,
               in_sem0, in_sem1, out_sem0, out_sem1, tab_sem):
  wid = lax.axis_index("s") * NC + lax.axis_index("c")
  base = wid * RPW

  for p in range(16):
    pltpu.async_copy(tab_hbm.at[pl.ds(p * 8192 + wid * 256, 256)],
                     tab_raw.at[pl.ds(p * 256, 256)], tab_sem)
  pltpu.async_copy(bits_hbm.at[base], bits0, in_sem0)
  for p in range(16):
    pltpu.make_async_copy(tab_hbm.at[pl.ds(p * 8192 + wid * 256, 256)],
                          tab_raw.at[pl.ds(p * 256, 256)], tab_sem).wait()

  iot = lax.iota(jnp.int32, L)
  pat = 1 << (3 - (iot & 3))
  perm1 = iot ^ 1
  perm2 = iot ^ 2
  permP = (iot & 3) << 2
  q1m = iot < 4
  q2m = iot < 8
  q3m = iot < 12

  @plsc.parallel_loop(0, 2 * RPW, unroll=8)
  def repack(i):
    r = i >> 1
    c = i & 1
    tab_v[pl.ds(i * 16, L)] = plsc.load_gather(
        tab_raw, [iot * 256 + c * 128 + r])

  def compute_row(r, bits_b, out_b):
    rbase = r << 5

    @plsc.parallel_loop(0, STEPS, unroll=8)
    def step(u):
      v1 = bits_b[pl.ds(u * 64, L)]
      v2 = bits_b[pl.ds(u * 64 + 16, L)]
      v3 = bits_b[pl.ds(u * 64 + 32, L)]
      v4 = bits_b[pl.ds(u * 64 + 48, L)]
      w1 = v1 * pat
      w2 = v2 * pat
      w3 = v3 * pat
      w4 = v4 * pat
      r1 = w1 + _dg(w1, perm1)
      r1 = r1 + _dg(r1, perm2)
      r2 = w2 + _dg(w2, perm1)
      r2 = r2 + _dg(r2, perm2)
      r3 = w3 + _dg(w3, perm1)
      r3 = r3 + _dg(r3, perm2)
      r4 = w4 + _dg(w4, perm1)
      r4 = r4 + _dg(r4, perm2)
      idx16 = jnp.where(
          q1m, _dg(r1, permP),
          jnp.where(q2m, _dg(r2, permP),
                    jnp.where(q3m, _dg(r3, permP), _dg(r4, permP))))
      addr = rbase + idx16
      off = u * 16 + (u >> 3) * 128
      out_b[pl.ds(off, L)] = plsc.load_gather(tab_v, [addr])
      out_b[pl.ds(off + 128, L)] = plsc.load_gather(tab_v, [addr + 16])

  bufs = ((bits0, out0, in_sem0, out_sem0),
          (bits1, out1, in_sem1, out_sem1))

  def pair_body(p, _):
    for b in range(2):
      bits_b, out_b, in_sem_b, out_sem_b = bufs[b]
      o_bits, _, o_in_sem, _ = bufs[1 - b]
      r = 2 * p + b
      row = base + r

      @pl.when(r + 1 < RPW)
      def _prefetch():
        pltpu.async_copy(bits_hbm.at[row + 1], o_bits, o_in_sem)

      pltpu.make_async_copy(bits_hbm.at[row], bits_b, in_sem_b).wait()

      @pl.when(r >= 2)
      def _drain():
        pltpu.make_async_copy(
            out_b, out_hbm.at[pl.ds((row - 2) * OUTW, OUTW)], out_sem_b).wait()

      compute_row(r, bits_b, out_b)
      pltpu.async_copy(out_b, out_hbm.at[pl.ds(row * OUTW, OUTW)], out_sem_b)
    return 0

  lax.fori_loop(0, RPW // 2, pair_body, 0)
  last0 = base + RPW - 2
  last1 = base + RPW - 1
  pltpu.make_async_copy(out0, out_hbm.at[pl.ds(last0 * OUTW, OUTW)],
                        out_sem0).wait()
  pltpu.make_async_copy(out1, out_hbm.at[pl.ds(last1 * OUTW, OUTW)],
                        out_sem1).wait()


@jax.jit
def _run(bits, tab):
  f = pl.kernel(
      _sc_mapper,
      out_type=jax.ShapeDtypeStruct((B * OUTW,), jnp.float32),
      mesh=plsc.VectorSubcoreMesh(core_axis_name="c", subcore_axis_name="s"),
      compiler_params=pltpu.CompilerParams(needs_layout_passes=False),
      scratch_types=[
          pltpu.VMEM((NBITS,), jnp.int32),
          pltpu.VMEM((NBITS,), jnp.int32),
          pltpu.VMEM((OUTW,), jnp.float32),
          pltpu.VMEM((OUTW,), jnp.float32),
          pltpu.VMEM((16 * 256,), jnp.float32),
          pltpu.VMEM((RPW * 2 * L,), jnp.float32),
          pltpu.SemaphoreType.DMA,
          pltpu.SemaphoreType.DMA,
          pltpu.SemaphoreType.DMA,
          pltpu.SemaphoreType.DMA,
          pltpu.SemaphoreType.DMA,
      ],
  )
  return f(bits, tab)


def kernel(bits, norm_C_points):
  tab = (norm_C_points.reshape(32, 128, 16, 2)
         .transpose(2, 0, 3, 1)
         .reshape(B * 2 * L))
  flat = _run(bits, tab)
  return (flat.reshape(B, 16, 2, 128)
          .transpose(0, 1, 3, 2)
          .reshape(B, SYMS, 2))

# --- scband reference (transcript-rebuilt; emitter-appended) ---
"""Pipeline reference for scband-mapper-28509992910863 (READ-ONLY COPY).

The authoritative reference and input builder live on the scoring server;
editing this copy changes nothing except your own understanding.
"""

import jax, jax.numpy as jnp
import numpy as np

NUM_BITS_PER_SYMBOL = 4

def setup_inputs(seed: int = 0) -> dict:
    key = jax.random.key(seed)
    k1, k2 = jax.random.split(key)
    bits = jax.random.randint(k1, (4096, 8192), 0, 2, dtype=jnp.int32)
    norm_C_points = jax.random.normal(k2, (4096, 16, 2), dtype=jnp.float32)
    return {"bits": bits, "norm_C_points": norm_C_points}

def reference(bits, norm_C_points):
    # bit positions: [num_bits-1, ..., 0]
    bit_positions = jnp.arange(NUM_BITS_PER_SYMBOL - 1, -1, -1, dtype=jnp.int32)
    b = bits.astype(jnp.int32)
    n1 = b.shape[-1] // NUM_BITS_PER_SYMBOL
    # split last dim into [n1, num_bits_per_symbol]
    b = b.reshape(b.shape[:-1] + (n1, NUM_BITS_PER_SYMBOL))
    shifted_bits = jnp.left_shift(b, bit_positions)
    int_rep = jnp.sum(shifted_bits, axis=-1)  # [B, n1], values in [0, 2^k)
    # tf.gather(norm_C_points, int_rep, axis=1, batch_dims=1):
    # x[b, s, :] = norm_C_points[b, int_rep[b, s], :]
    x = jnp.take_along_axis(norm_C_points, int_rep[:, :, None], axis=1)
    return x

if __name__ == "__main__":
    import jax
    _d = setup_inputs()
    print(jax.jit(kernel)(*tuple(_d.values())))

</pallas_src>

<mosaic_0001>
#map = affine_map<(d0, d1) -> (0, 0)>
#map1 = affine_map<(d0, d1) -> (0)>
module attributes {stable_mosaic.version = 14 : i64} {
  func.func @_sc_mapper(%arg0: i32, %arg1: i32, %arg2: memref<4096x8192xi32, #tpu.memory_space<hbm>>, %arg3: memref<131072xf32, #tpu.memory_space<hbm>>, %arg4: memref<16777216xf32, #tpu.memory_space<hbm>>, %arg5: memref<8192xi32, #tpu.memory_space<vmem>>, %arg6: memref<8192xi32, #tpu.memory_space<vmem>>, %arg7: memref<4096xf32, #tpu.memory_space<vmem>>, %arg8: memref<4096xf32, #tpu.memory_space<vmem>>, %arg9: memref<4096xf32, #tpu.memory_space<vmem>>, %arg10: memref<4096xf32, #tpu.memory_space<vmem>>, %arg11: memref<!tpu.dma_semaphore, #tpu.memory_space<semaphore_mem>>, %arg12: memref<!tpu.dma_semaphore, #tpu.memory_space<semaphore_mem>>, %arg13: memref<!tpu.dma_semaphore, #tpu.memory_space<semaphore_mem>>, %arg14: memref<!tpu.dma_semaphore, #tpu.memory_space<semaphore_mem>>, %arg15: memref<!tpu.dma_semaphore, #tpu.memory_space<semaphore_mem>>) attributes {dimension_semantics = [#tpu.dimension_semantics<core_parallel>, #tpu.dimension_semantics<subcore_parallel>], iteration_bounds = array<i64: 2, 16>, scalar_prefetch = 0 : i64, scratch_operands = 11 : i64, tpu.core_type = #tpu.core_type<sc_vector_subcore>, window_params = [{transform_indices = #map}, {transform_indices = #map1}, {transform_indices = #map1}]} {
    %mul3A = arith.constant 2 : i32
    %mul3A_0 = arith.muli %arg1, %mul3A : i32
    %add3A = arith.addi %mul3A_0, %arg0 : i32
    %mul3A_1 = arith.constant 128 : i32
    %mul3A_2 = arith.muli %add3A, %mul3A_1 : i32
    %mul3A_3 = arith.constant 256 : i32
    %mul3A_4 = arith.muli %add3A, %mul3A_3 : i32
    %add3A_5 = arith.constant 0 : i32
    %add3A_6 = arith.addi %add3A_5, %mul3A_4 : i32
    %dma_start3A = arith.constant 0 : i32
    %dma_start3A_7 = tpu.memref_slice %arg9[%dma_start3A] : memref<4096xf32, #tpu.memory_space<vmem>> -> memref<256xf32, #tpu.memory_space<vmem>>
    %dma_start3A_8 = tpu.memref_slice %arg3[%add3A_6] : memref<131072xf32, #tpu.memory_space<hbm>> -> memref<256xf32, #tpu.memory_space<hbm>>
    %dma_start3A_9 = arith.constant 0 : i32
    %dma_start3A_10 = tpu.memref_slice %arg9[%dma_start3A_9] : memref<4096xf32, #tpu.memory_space<vmem>> -> memref<256xf32, #tpu.memory_space<vmem>>
    %dma_start3A_11 = tpu.memref_slice %arg3[%add3A_6] : memref<131072xf32, #tpu.memory_space<hbm>> -> memref<256xf32, #tpu.memory_space<hbm>>
    tpu.enqueue_dma source(%dma_start3A_11 : memref<256xf32, #tpu.memory_space<hbm>>) target(%dma_start3A_10 : memref<256xf32, #tpu.memory_space<vmem>>) target_semaphore(%arg15 : memref<!tpu.dma_semaphore, #tpu.memory_space<semaphore_mem>>)
    %mul3A_12 = arith.constant 256 : i32
    %mul3A_13 = arith.muli %add3A, %mul3A_12 : i32
    %add3A_14 = arith.constant 8192 : i32
    %add3A_15 = arith.addi %add3A_14, %mul3A_13 : i32
    %dma_start3A_16 = arith.constant 256 : i32
    %dma_start3A_17 = tpu.memref_slice %arg9[%dma_start3A_16] : memref<4096xf32, #tpu.memory_space<vmem>> -> memref<256xf32, #tpu.memory_space<vmem>>
    %dma_start3A_18 = tpu.memref_slice %arg3[%add3A_15] : memref<131072xf32, #tpu.memory_space<hbm>> -> memref<256xf32, #tpu.memory_space<hbm>>
    %dma_start3A_19 = arith.constant 256 : i32
    %dma_start3A_20 = tpu.memref_slice %arg9[%dma_start3A_19] : memref<4096xf32, #tpu.memory_space<vmem>> -> memref<256xf32, #tpu.memory_space<vmem>>
    %dma_start3A_21 = tpu.memref_slice %arg3[%add3A_15] : memref<131072xf32, #tpu.memory_space<hbm>> -> memref<256xf32, #tpu.memory_space<hbm>>
    tpu.enqueue_dma source(%dma_start3A_21 : memref<256xf32, #tpu.memory_space<hbm>>) target(%dma_start3A_20 : memref<256xf32, #tpu.memory_space<vmem>>) target_semaphore(%arg15 : memref<!tpu.dma_semaphore, #tpu.memory_space<semaphore_mem>>)
    %mul3A_22 = arith.constant 256 : i32
    %mul3A_23 = arith.muli %add3A, %mul3A_22 : i32
    %add3A_24 = arith.constant 16384 : i32
    %add3A_25 = arith.addi %add3A_24, %mul3A_23 : i32
    %dma_start3A_26 = arith.constant 512 : i32
    %dma_start3A_27 = tpu.memref_slice %arg9[%dma_start3A_26] : memref<4096xf32, #tpu.memory_space<vmem>> -> memref<256xf32, #tpu.memory_space<vmem>>
    %dma_start3A_28 = tpu.memref_slice %arg3[%add3A_25] : memref<131072xf32, #tpu.memory_space<hbm>> -> memref<256xf32, #tpu.memory_space<hbm>>
    %dma_start3A_29 = arith.constant 512 : i32
    %dma_start3A_30 = tpu.memref_slice %arg9[%dma_start3A_29] : memref<4096xf32, #tpu.memory_space<vmem>> -> memref<256xf32, #tpu.memory_space<vmem>>
    %dma_start3A_31 = tpu.memref_slice %arg3[%add3A_25] : memref<131072xf32, #tpu.memory_space<hbm>> -> memref<256xf32, #tpu.memory_space<hbm>>
    tpu.enqueue_dma source(%dma_start3A_31 : memref<256xf32, #tpu.memory_space<hbm>>) target(%dma_start3A_30 : memref<256xf32, #tpu.memory_space<vmem>>) target_semaphore(%arg15 : memref<!tpu.dma_semaphore, #tpu.memory_space<semaphore_mem>>)
    %mul3A_32 = arith.constant 256 : i32
    %mul3A_33 = arith.muli %add3A, %mul3A_32 : i32
    %add3A_34 = arith.constant 24576 : i32
    %add3A_35 = arith.addi %add3A_34, %mul3A_33 : i32
    %dma_start3A_36 = arith.constant 768 : i32
    %dma_start3A_37 = tpu.memref_slice %arg9[%dma_start3A_36] : memref<4096xf32, #tpu.memory_space<vmem>> -> memref<256xf32, #tpu.memory_space<vmem>>
    %dma_start3A_38 = tpu.memref_slice %arg3[%add3A_35] : memref<131072xf32, #tpu.memory_space<hbm>> -> memref<256xf32, #tpu.memory_space<hbm>>
    %dma_start3A_39 = arith.constant 768 : i32
    %dma_start3A_40 = tpu.memref_slice %arg9[%dma_start3A_39] : memref<4096xf32, #tpu.memory_space<vmem>> -> memref<256xf32, #tpu.memory_space<vmem>>
    %dma_start3A_41 = tpu.memref_slice %arg3[%add3A_35] : memref<131072xf32, #tpu.memory_space<hbm>> -> memref<256xf32, #tpu.memory_space<hbm>>
    tpu.enqueue_dma source(%dma_start3A_41 : memref<256xf32, #tpu.memory_space<hbm>>) target(%dma_start3A_40 : memref<256xf32, #tpu.memory_space<vmem>>) target_semaphore(%arg15 : memref<!tpu.dma_semaphore, #tpu.memory_space<semaphore_mem>>)
    %mul3A_42 = arith.constant 256 : i32
    %mul3A_43 = arith.muli %add3A, %mul3A_42 : i32
    %add3A_44 = arith.constant 32768 : i32
    %add3A_45 = arith.addi %add3A_44, %mul3A_43 : i32
    %dma_start3A_46 = arith.constant 1024 : i32
    %dma_start3A_47 = tpu.memref_slice %arg9[%dma_start3A_46] : memref<4096xf32, #tpu.memory_space<vmem>> -> memref<256xf32, #tpu.memory_space<vmem>>
    %dma_start3A_48 = tpu.memref_slice %arg3[%add3A_45] : memref<131072xf32, #tpu.memory_space<hbm>> -> memref<256xf32, #tpu.memory_space<hbm>>
    %dma_start3A_49 = arith.constant 1024 : i32
    %dma_start3A_50 = tpu.memref_slice %arg9[%dma_start3A_49] : memref<4096xf32, #tpu.memory_space<vmem>> -> memref<256xf32, #tpu.memory_space<vmem>>
    %dma_start3A_51 = tpu.memref_slice %arg3[%add3A_45] : memref<131072xf32, #tpu.memory_space<hbm>> -> memref<256xf32, #tpu.memory_space<hbm>>
    tpu.enqueue_dma source(%dma_start3A_51 : memref<256xf32, #tpu.memory_space<hbm>>) target(%dma_start3A_50 : memref<256xf32, #tpu.memory_space<vmem>>) target_semaphore(%arg15 : memref<!tpu.dma_semaphore, #tpu.memory_space<semaphore_mem>>)
    %mul3A_52 = arith.constant 256 : i32
    %mul3A_53 = arith.muli %add3A, %mul3A_52 : i32
    %add3A_54 = arith.constant 40960 : i32
    %add3A_55 = arith.addi %add3A_54, %mul3A_53 : i32
    %dma_start3A_56 = arith.constant 1280 : i32
    %dma_start3A_57 = tpu.memref_slice %arg9[%dma_start3A_56] : memref<4096xf32, #tpu.memory_space<vmem>> -> memref<256xf32, #tpu.memory_space<vmem>>
    %dma_start3A_58 = tpu.memref_slice %arg3[%add3A_55] : memref<131072xf32, #tpu.memory_space<hbm>> -> memref<256xf32, #tpu.memory_space<hbm>>
    %dma_start3A_59 = arith.constant 1280 : i32
    %dma_start3A_60 = tpu.memref_slice %arg9[%dma_start3A_59] : memref<4096xf32, #tpu.memory_space<vmem>> -> memref<256xf32, #tpu.memory_space<vmem>>
    %dma_start3A_61 = tpu.memref_slice %arg3[%add3A_55] : memref<131072xf32, #tpu.memory_space<hbm>> -> memref<256xf32, #tpu.memory_space<hbm>>
    tpu.enqueue_dma source(%dma_start3A_61 : memref<256xf32, #tpu.memory_space<hbm>>) target(%dma_start3A_60 : memref<256xf32, #tpu.memory_space<vmem>>) target_semaphore(%arg15 : memref<!tpu.dma_semaphore, #tpu.memory_space<semaphore_mem>>)
    %mul3A_62 = arith.constant 256 : i32
    %mul3A_63 = arith.muli %add3A, %mul3A_62 : i32
    %add3A_64 = arith.constant 49152 : i32
    %add3A_65 = arith.addi %add3A_64, %mul3A_63 : i32
    %dma_start3A_66 = arith.constant 1536 : i32
    %dma_start3A_67 = tpu.memref_slice %arg9[%dma_start3A_66] : memref<4096xf32, #tpu.memory_space<vmem>> -> memref<256xf32, #tpu.memory_space<vmem>>
    %dma_start3A_68 = tpu.memref_slice %arg3[%add3A_65] : memref<131072xf32, #tpu.memory_space<hbm>> -> memref<256xf32, #tpu.memory_space<hbm>>
    %dma_start3A_69 = arith.constant 1536 : i32
    %dma_start3A_70 = tpu.memref_slice %arg9[%dma_start3A_69] : memref<4096xf32, #tpu.memory_space<vmem>> -> memref<256xf32, #tpu.memory_space<vmem>>
    %dma_start3A_71 = tpu.memref_slice %arg3[%add3A_65] : memref<131072xf32, #tpu.memory_space<hbm>> -> memref<256xf32, #tpu.memory_space<hbm>>
    tpu.enqueue_dma source(%dma_start3A_71 : memref<256xf32, #tpu.memory_space<hbm>>) target(%dma_start3A_70 : memref<256xf32, #tpu.memory_space<vmem>>) target_semaphore(%arg15 : memref<!tpu.dma_semaphore, #tpu.memory_space<semaphore_mem>>)
    %mul3A_72 = arith.constant 256 : i32
    %mul3A_73 = arith.muli %add3A, %mul3A_72 : i32
    %add3A_74 = arith.constant 57344 : i32
    %add3A_75 = arith.addi %add3A_74, %mul3A_73 : i32
    %dma_start3A_76 = arith.constant 1792 : i32
    %dma_start3A_77 = tpu.memref_slice %arg9[%dma_start3A_76] : memref<4096xf32, #tpu.memory_space<vmem>> -> memref<256xf32, #tpu.memory_space<vmem>>
    %dma_start3A_78 = tpu.memref_slice %arg3[%add3A_75] : memref<131072xf32, #tpu.memory_space<hbm>> -> memref<256xf32, #tpu.memory_space<hbm>>
    %dma_start3A_79 = arith.constant 1792 : i32
    %dma_start3A_80 = tpu.memref_slice %arg9[%dma_start3A_79] : memref<4096xf32, #tpu.memory_space<vmem>> -> memref<256xf32, #tpu.memory_space<vmem>>
    %dma_start3A_81 = tpu.memref_slice %arg3[%add3A_75] : memref<131072xf32, #tpu.memory_space<hbm>> -> memref<256xf32, #tpu.memory_space<hbm>>
    tpu.enqueue_dma source(%dma_start3A_81 : memref<256xf32, #tpu.memory_space<hbm>>) target(%dma_start3A_80 : memref<256xf32, #tpu.memory_space<vmem>>) target_semaphore(%arg15 : memref<!tpu.dma_semaphore, #tpu.memory_space<semaphore_mem>>)
    %mul3A_82 = arith.constant 256 : i32
    %mul3A_83 = arith.muli %add3A, %mul3A_82 : i32
    %add3A_84 = arith.constant 65536 : i32
    %add3A_85 = arith.addi %add3A_84, %mul3A_83 : i32
    %dma_start3A_86 = arith.constant 2048 : i32
    %dma_start3A_87 = tpu.memref_slice %arg9[%dma_start3A_86] : memref<4096xf32, #tpu.memory_space<vmem>> -> memref<256xf32, #tpu.memory_space<vmem>>
    %dma_start3A_88 = tpu.memref_slice %arg3[%add3A_85] : memref<131072xf32, #tpu.memory_space<hbm>> -> memref<256xf32, #tpu.memory_space<hbm>>
    %dma_start3A_89 = arith.constant 2048 : i32
    %dma_start3A_90 = tpu.memref_slice %arg9[%dma_start3A_89] : memref<4096xf32, #tpu.memory_space<vmem>> -> memref<256xf32, #tpu.memory_space<vmem>>
    %dma_start3A_91 = tpu.memref_slice %arg3[%add3A_85] : memref<131072xf32, #tpu.memory_space<hbm>> -> memref<256xf32, #tpu.memory_space<hbm>>
    tpu.enqueue_dma source(%dma_start3A_91 : memref<256xf32, #tpu.memory_space<hbm>>) target(%dma_start3A_90 : memref<256xf32, #tpu.memory_space<vmem>>) target_semaphore(%arg15 : memref<!tpu.dma_semaphore, #tpu.memory_space<semaphore_mem>>)
    %mul3A_92 = arith.constant 256 : i32
    %mul3A_93 = arith.muli %add3A, %mul3A_92 : i32
    %add3A_94 = arith.constant 73728 : i32
    %add3A_95 = arith.addi %add3A_94, %mul3A_93 : i32
    %dma_start3A_96 = arith.constant 2304 : i32
    %dma_start3A_97 = tpu.memref_slice %arg9[%dma_start3A_96] : memref<4096xf32, #tpu.memory_space<vmem>> -> memref<256xf32, #tpu.memory_space<vmem>>
    %dma_start3A_98 = tpu.memref_slice %arg3[%add3A_95] : memref<131072xf32, #tpu.memory_space<hbm>> -> memref<256xf32, #tpu.memory_space<hbm>>
    %dma_start3A_99 = arith.constant 2304 : i32
    %dma_start3A_100 = tpu.memref_slice %arg9[%dma_start3A_99] : memref<4096xf32, #tpu.memory_space<vmem>> -> memref<256xf32, #tpu.memory_space<vmem>>
    %dma_start3A_101 = tpu.memref_slice %arg3[%add3A_95] : memref<131072xf32, #tpu.memory_space<hbm>> -> memref<256xf32, #tpu.memory_space<hbm>>
    tpu.enqueue_dma source(%dma_start3A_101 : memref<256xf32, #tpu.memory_space<hbm>>) target(%dma_start3A_100 : memref<256xf32, #tpu.memory_space<vmem>>) target_semaphore(%arg15 : memref<!tpu.dma_semaphore, #tpu.memory_space<semaphore_mem>>)
    %mul3A_102 = arith.constant 256 : i32
    %mul3A_103 = arith.muli %add3A, %mul3A_102 : i32
    %add3A_104 = arith.constant 81920 : i32
    %add3A_105 = arith.addi %add3A_104, %mul3A_103 : i32
    %dma_start3A_106 = arith.constant 2560 : i32
    %dma_start3A_107 = tpu.memref_slice %arg9[%dma_start3A_106] : memref<4096xf32, #tpu.memory_space<vmem>> -> memref<256xf32, #tpu.memory_space<vmem>>
    %dma_start3A_108 = tpu.memref_slice %arg3[%add3A_105] : memref<131072xf32, #tpu.memory_space<hbm>> -> memref<256xf32, #tpu.memory_space<hbm>>
    %dma_start3A_109 = arith.constant 2560 : i32
    %dma_start3A_110 = tpu.memref_slice %arg9[%dma_start3A_109] : memref<4096xf32, #tpu.memory_space<vmem>> -> memref<256xf32, #tpu.memory_space<vmem>>
    %dma_start3A_111 = tpu.memref_slice %arg3[%add3A_105] : memref<131072xf32, #tpu.memory_space<hbm>> -> memref<256xf32, #tpu.memory_space<hbm>>
    tpu.enqueue_dma source(%dma_start3A_111 : memref<256xf32, #tpu.memory_space<hbm>>) target(%dma_start3A_110 : memref<256xf32, #tpu.memory_space<vmem>>) target_semaphore(%arg15 : memref<!tpu.dma_semaphore, #tpu.memory_space<semaphore_mem>>)
    %mul3A_112 = arith.constant 256 : i32
    %mul3A_113 = arith.muli %add3A, %mul3A_112 : i32
    %add3A_114 = arith.constant 90112 : i32
    %add3A_115 = arith.addi %add3A_114, %mul3A_113 : i32
    %dma_start3A_116 = arith.constant 2816 : i32
    %dma_start3A_117 = tpu.memref_slice %arg9[%dma_start3A_116] : memref<4096xf32, #tpu.memory_space<vmem>> -> memref<256xf32, #tpu.memory_space<vmem>>
    %dma_start3A_118 = tpu.memref_slice %arg3[%add3A_115] : memref<131072xf32, #tpu.memory_space<hbm>> -> memref<256xf32, #tpu.memory_space<hbm>>
    %dma_start3A_119 = arith.constant 2816 : i32
    %dma_start3A_120 = tpu.memref_slice %arg9[%dma_start3A_119] : memref<4096xf32, #tpu.memory_space<vmem>> -> memref<256xf32, #tpu.memory_space<vmem>>
    %dma_start3A_121 = tpu.memref_slice %arg3[%add3A_115] : memref<131072xf32, #tpu.memory_space<hbm>> -> memref<256xf32, #tpu.memory_space<hbm>>
    tpu.enqueue_dma source(%dma_start3A_121 : memref<256xf32, #tpu.memory_space<hbm>>) target(%dma_start3A_120 : memref<256xf32, #tpu.memory_space<vmem>>) target_semaphore(%arg15 : memref<!tpu.dma_semaphore, #tpu.memory_space<semaphore_mem>>)
    %mul3A_122 = arith.constant 256 : i32
    %mul3A_123 = arith.muli %add3A, %mul3A_122 : i32
    %add3A_124 = arith.constant 98304 : i32
    %add3A_125 = arith.addi %add3A_124, %mul3A_123 : i32
    %dma_start3A_126 = arith.constant 3072 : i32
    %dma_start3A_127 = tpu.memref_slice %arg9[%dma_start3A_126] : memref<4096xf32, #tpu.memory_space<vmem>> -> memref<256xf32, #tpu.memory_space<vmem>>
    %dma_start3A_128 = tpu.memref_slice %arg3[%add3A_125] : memref<131072xf32, #tpu.memory_space<hbm>> -> memref<256xf32, #tpu.memory_space<hbm>>
    %dma_start3A_129 = arith.constant 3072 : i32
    %dma_start3A_130 = tpu.memref_slice %arg9[%dma_start3A_129] : memref<4096xf32, #tpu.memory_space<vmem>> -> memref<256xf32, #tpu.memory_space<vmem>>
    %dma_start3A_131 = tpu.memref_slice %arg3[%add3A_125] : memref<131072xf32, #tpu.memory_space<hbm>> -> memref<256xf32, #tpu.memory_space<hbm>>
    tpu.enqueue_dma source(%dma_start3A_131 : memref<256xf32, #tpu.memory_space<hbm>>) target(%dma_start3A_130 : memref<256xf32, #tpu.memory_space<vmem>>) target_semaphore(%arg15 : memref<!tpu.dma_semaphore, #tpu.memory_space<semaphore_mem>>)
    %mul3A_132 = arith.constant 256 : i32
    %mul3A_133 = arith.muli %add3A, %mul3A_132 : i32
    %add3A_134 = arith.constant 106496 : i32
    %add3A_135 = arith.addi %add3A_134, %mul3A_133 : i32
    %dma_start3A_136 = arith.constant 3328 : i32
    %dma_start3A_137 = tpu.memref_slice %arg9[%dma_start3A_136] : memref<4096xf32, #tpu.memory_space<vmem>> -> memref<256xf32, #tpu.memory_space<vmem>>
    %dma_start3A_138 = tpu.memref_slice %arg3[%add3A_135] : memref<131072xf32, #tpu.memory_space<hbm>> -> memref<256xf32, #tpu.memory_space<hbm>>
    %dma_start3A_139 = arith.constant 3328 : i32
    %dma_start3A_140 = tpu.memref_slice %arg9[%dma_start3A_139] : memref<4096xf32, #tpu.memory_space<vmem>> -> memref<256xf32, #tpu.memory_space<vmem>>
    %dma_start3A_141 = tpu.memref_slice %arg3[%add3A_135] : memref<131072xf32, #tpu.memory_space<hbm>> -> memref<256xf32, #tpu.memory_space<hbm>>
    tpu.enqueue_dma source(%dma_start3A_141 : memref<256xf32, #tpu.memory_space<hbm>>) target(%dma_start3A_140 : memref<256xf32, #tpu.memory_space<vmem>>) target_semaphore(%arg15 : memref<!tpu.dma_semaphore, #tpu.memory_space<semaphore_mem>>)
    %mul3A_142 = arith.constant 256 : i32
    %mul3A_143 = arith.muli %add3A, %mul3A_142 : i32
    %add3A_144 = arith.constant 114688 : i32
    %add3A_145 = arith.addi %add3A_144, %mul3A_143 : i32
    %dma_start3A_146 = arith.constant 3584 : i32
    %dma_start3A_147 = tpu.memref_slice %arg9[%dma_start3A_146] : memref<4096xf32, #tpu.memory_space<vmem>> -> memref<256xf32, #tpu.memory_space<vmem>>
    %dma_start3A_148 = tpu.memref_slice %arg3[%add3A_145] : memref<131072xf32, #tpu.memory_space<hbm>> -> memref<256xf32, #tpu.memory_space<hbm>>
    %dma_start3A_149 = arith.constant 3584 : i32
    %dma_start3A_150 = tpu.memref_slice %arg9[%dma_start3A_149] : memref<4096xf32, #tpu.memory_space<vmem>> -> memref<256xf32, #tpu.memory_space<vmem>>
    %dma_start3A_151 = tpu.memref_slice %arg3[%add3A_145] : memref<131072xf32, #tpu.memory_space<hbm>> -> memref<256xf32, #tpu.memory_space<hbm>>
    tpu.enqueue_dma source(%dma_start3A_151 : memref<256xf32, #tpu.memory_space<hbm>>) target(%dma_start3A_150 : memref<256xf32, #tpu.memory_space<vmem>>) target_semaphore(%arg15 : memref<!tpu.dma_semaphore, #tpu.memory_space<semaphore_mem>>)
    %mul3A_152 = arith.constant 256 : i32
    %mul3A_153 = arith.muli %add3A, %mul3A_152 : i32
    %add3A_154 = arith.constant 122880 : i32
    %add3A_155 = arith.addi %add3A_154, %mul3A_153 : i32
    %dma_start3A_156 = arith.constant 3840 : i32
    %dma_start3A_157 = tpu.memref_slice %arg9[%dma_start3A_156] : memref<4096xf32, #tpu.memory_space<vmem>> -> memref<256xf32, #tpu.memory_space<vmem>>
    %dma_start3A_158 = tpu.memref_slice %arg3[%add3A_155] : memref<131072xf32, #tpu.memory_space<hbm>> -> memref<256xf32, #tpu.memory_space<hbm>>
    %dma_start3A_159 = arith.constant 3840 : i32
    %dma_start3A_160 = tpu.memref_slice %arg9[%dma_start3A_159] : memref<4096xf32, #tpu.memory_space<vmem>> -> memref<256xf32, #tpu.memory_space<vmem>>
    %dma_start3A_161 = tpu.memref_slice %arg3[%add3A_155] : memref<131072xf32, #tpu.memory_space<hbm>> -> memref<256xf32, #tpu.memory_space<hbm>>
    tpu.enqueue_dma source(%dma_start3A_161 : memref<256xf32, #tpu.memory_space<hbm>>) target(%dma_start3A_160 : memref<256xf32, #tpu.memory_space<vmem>>) target_semaphore(%arg15 : memref<!tpu.dma_semaphore, #tpu.memory_space<semaphore_mem>>)
    %dma_start3A_162 = arith.constant 0 : i32
    %dma_start3A_163 = tpu.memref_slice %arg2[%mul3A_2, %dma_start3A_162] : memref<4096x8192xi32, #tpu.memory_space<hbm>> -> memref<1x8192xi32, #tpu.memory_space<hbm>>
    %dma_start3A_164 = tpu.memref_squeeze %dma_start3A_163 : memref<1x8192xi32, #tpu.memory_space<hbm>> -> memref<8192xi32, #tpu.memory_space<hbm>>
    %dma_start3A_165 = arith.constant 0 : i32
    %dma_start3A_166 = tpu.memref_slice %arg2[%mul3A_2, %dma_start3A_165] : memref<4096x8192xi32, #tpu.memory_space<hbm>> -> memref<1x8192xi32, #tpu.memory_space<hbm>>
    %dma_start3A_167 = tpu.memref_squeeze %dma_start3A_166 : memref<1x8192xi32, #tpu.memory_space<hbm>> -> memref<8192xi32, #tpu.memory_space<hbm>>
    tpu.enqueue_dma source(%dma_start3A_167 : memref<8192xi32, #tpu.memory_space<hbm>>) target(%arg5 : memref<8192xi32, #tpu.memory_space<vmem>>) target_semaphore(%arg11 : memref<!tpu.dma_semaphore, #tpu.memory_space<semaphore_mem>>)
    %mul3A_168 = arith.constant 256 : i32
    %mul3A_169 = arith.muli %add3A, %mul3A_168 : i32
    %add3A_170 = arith.constant 0 : i32
    %add3A_171 = arith.addi %add3A_170, %mul3A_169 : i32
    %dma_wait3A = arith.constant 0 : i32
    %dma_wait3A_172 = tpu.memref_slice %arg9[%dma_wait3A] : memref<4096xf32, #tpu.memory_space<vmem>> -> memref<256xf32, #tpu.memory_space<vmem>>
    %dma_wait3A_173 = tpu.memref_slice %arg3[%add3A_171] : memref<131072xf32, #tpu.memory_space<hbm>> -> memref<256xf32, #tpu.memory_space<hbm>>
    %dma_wait3A_174 = arith.constant 0 : i32
    %dma_wait3A_175 = tpu.memref_slice %arg9[%dma_wait3A_174] : memref<4096xf32, #tpu.memory_space<vmem>> -> memref<256xf32, #tpu.memory_space<vmem>>
    %dma_wait3A_176 = tpu.memref_slice %arg3[%add3A_171] : memref<131072xf32, #tpu.memory_space<hbm>> -> memref<256xf32, #tpu.memory_space<hbm>>
    tpu.wait_dma2 semaphore(%arg15 : memref<!tpu.dma_semaphore, #tpu.memory_space<semaphore_mem>>) src(%dma_wait3A_176 : memref<256xf32, #tpu.memory_space<hbm>>) dst(%dma_wait3A_175 : memref<256xf32, #tpu.memory_space<vmem>>)
    %mul3A_177 = arith.constant 256 : i32
    %mul3A_178 = arith.muli %add3A, %mul3A_177 : i32
    %add3A_179 = arith.constant 8192 : i32
    %add3A_180 = arith.addi %add3A_179, %mul3A_178 : i32
    %dma_wait3A_181 = arith.constant 256 : i32
    %dma_wait3A_182 = tpu.memref_slice %arg9[%dma_wait3A_181] : memref<4096xf32, #tpu.memory_space<vmem>> -> memref<256xf32, #tpu.memory_space<vmem>>
    %dma_wait3A_183 = tpu.memref_slice %arg3[%add3A_180] : memref<131072xf32, #tpu.memory_space<hbm>> -> memref<256xf32, #tpu.memory_space<hbm>>
    %dma_wait3A_184 = arith.constant 256 : i32
    %dma_wait3A_185 = tpu.memref_slice %arg9[%dma_wait3A_184] : memref<4096xf32, #tpu.memory_space<vmem>> -> memref<256xf32, #tpu.memory_space<vmem>>
    %dma_wait3A_186 = tpu.memref_slice %arg3[%add3A_180] : memref<131072xf32, #tpu.memory_space<hbm>> -> memref<256xf32, #tpu.memory_space<hbm>>
    tpu.wait_dma2 semaphore(%arg15 : memref<!tpu.dma_semaphore, #tpu.memory_space<semaphore_mem>>) src(%dma_wait3A_186 : memref<256xf32, #tpu.memory_space<hbm>>) dst(%dma_wait3A_185 : memref<256xf32, #tpu.memory_space<vmem>>)
    %mul3A_187 = arith.constant 256 : i32
    %mul3A_188 = arith.muli %add3A, %mul3A_187 : i32
    %add3A_189 = arith.constant 16384 : i32
    %add3A_190 = arith.addi %add3A_189, %mul3A_188 : i32
    %dma_wait3A_191 = arith.constant 512 : i32
    %dma_wait3A_192 = tpu.memref_slice %arg9[%dma_wait3A_191] : memref<4096xf32, #tpu.memory_space<vmem>> -> memref<256xf32, #tpu.memory_space<vmem>>
    %dma_wait3A_193 = tpu.memref_slice %arg3[%add3A_190] : memref<131072xf32, #tpu.memory_space<hbm>> -> memref<256xf32, #tpu.memory_space<hbm>>
    %dma_wait3A_194 = arith.constant 512 : i32
    %dma_wait3A_195 = tpu.memref_slice %arg9[%dma_wait3A_194] : memref<4096xf32, #tpu.memory_space<vmem>> -> memref<256xf32, #tpu.memory_space<vmem>>
    %dma_wait3A_196 = tpu.memref_slice %arg3[%add3A_190] : memref<131072xf32, #tpu.memory_space<hbm>> -> memref<256xf32, #tpu.memory_space<hbm>>
    tpu.wait_dma2 semaphore(%arg15 : memref<!tpu.dma_semaphore, #tpu.memory_space<semaphore_mem>>) src(%dma_wait3A_196 : memref<256xf32, #tpu.memory_space<hbm>>) dst(%dma_wait3A_195 : memref<256xf32, #tpu.memory_space<vmem>>)
    %mul3A_197 = arith.constant 256 : i32
    %mul3A_198 = arith.muli %add3A, %mul3A_197 : i32
    %add3A_199 = arith.constant 24576 : i32
    %add3A_200 = arith.addi %add3A_199, %mul3A_198 : i32
    %dma_wait3A_201 = arith.constant 768 : i32
    %dma_wait3A_202 = tpu.memref_slice %arg9[%dma_wait3A_201] : memref<4096xf32, #tpu.memory_space<vmem>> -> memref<256xf32, #tpu.memory_space<vmem>>
    %dma_wait3A_203 = tpu.memref_slice %arg3[%add3A_200] : memref<131072xf32, #tpu.memory_space<hbm>> -> memref<256xf32, #tpu.memory_space<hbm>>
    %dma_wait3A_204 = arith.constant 768 : i32
    %dma_wait3A_205 = tpu.memref_slice %arg9[%dma_wait3A_204] : memref<4096xf32, #tpu.memory_space<vmem>> -> memref<256xf32, #tpu.memory_space<vmem>>
    %dma_wait3A_206 = tpu.memref_slice %arg3[%add3A_200] : memref<131072xf32, #tpu.memory_space<hbm>> -> memref<256xf32, #tpu.memory_space<hbm>>
    tpu.wait_dma2 semaphore(%arg15 : memref<!tpu.dma_semaphore, #tpu.memory_space<semaphore_mem>>) src(%dma_wait3A_206 : memref<256xf32, #tpu.memory_space<hbm>>) dst(%dma_wait3A_205 : memref<256xf32, #tpu.memory_space<vmem>>)
    %mul3A_207 = arith.constant 256 : i32
    %mul3A_208 = arith.muli %add3A, %mul3A_207 : i32
    %add3A_209 = arith.constant 32768 : i32
    %add3A_210 = arith.addi %add3A_209, %mul3A_208 : i32
    %dma_wait3A_211 = arith.constant 1024 : i32
    %dma_wait3A_212 = tpu.memref_slice %arg9[%dma_wait3A_211] : memref<4096xf32, #tpu.memory_space<vmem>> -> memref<256xf32, #tpu.memory_space<vmem>>
    %dma_wait3A_213 = tpu.memref_slice %arg3[%add3A_210] : memref<131072xf32, #tpu.memory_space<hbm>> -> memref<256xf32, #tpu.memory_space<hbm>>
    %dma_wait3A_214 = arith.constant 1024 : i32
    %dma_wait3A_215 = tpu.memref_slice %arg9[%dma_wait3A_214] : memref<4096xf32, #tpu.memory_space<vmem>> -> memref<256xf32, #tpu.memory_space<vmem>>
    %dma_wait3A_216 = tpu.memref_slice %arg3[%add3A_210] : memref<131072xf32, #tpu.memory_space<hbm>> -> memref<256xf32, #tpu.memory_space<hbm>>
    tpu.wait_dma2 semaphore(%arg15 : memref<!tpu.dma_semaphore, #tpu.memory_space<semaphore_mem>>) src(%dma_wait3A_216 : memref<256xf32, #tpu.memory_space<hbm>>) dst(%dma_wait3A_215 : memref<256xf32, #tpu.memory_space<vmem>>)
    %mul3A_217 = arith.constant 256 : i32
    %mul3A_218 = arith.muli %add3A, %mul3A_217 : i32
    %add3A_219 = arith.constant 40960 : i32
    %add3A_220 = arith.addi %add3A_219, %mul3A_218 : i32
    %dma_wait3A_221 = arith.constant 1280 : i32
    %dma_wait3A_222 = tpu.memref_slice %arg9[%dma_wait3A_221] : memref<4096xf32, #tpu.memory_space<vmem>> -> memref<256xf32, #tpu.memory_space<vmem>>
    %dma_wait3A_223 = tpu.memref_slice %arg3[%add3A_220] : memref<131072xf32, #tpu.memory_space<hbm>> -> memref<256xf32, #tpu.memory_space<hbm>>
    %dma_wait3A_224 = arith.constant 1280 : i32
    %dma_wait3A_225 = tpu.memref_slice %arg9[%dma_wait3A_224] : memref<4096xf32, #tpu.memory_space<vmem>> -> memref<256xf32, #tpu.memory_space<vmem>>
    %dma_wait3A_226 = tpu.memref_slice %arg3[%add3A_220] : memref<131072xf32, #tpu.memory_space<hbm>> -> memref<256xf32, #tpu.memory_space<hbm>>
    tpu.wait_dma2 semaphore(%arg15 : memref<!tpu.dma_semaphore, #tpu.memory_space<semaphore_mem>>) src(%dma_wait3A_226 : memref<256xf32, #tpu.memory_space<hbm>>) dst(%dma_wait3A_225 : memref<256xf32, #tpu.memory_space<vmem>>)
    %mul3A_227 = arith.constant 256 : i32
    %mul3A_228 = arith.muli %add3A, %mul3A_227 : i32
    %add3A_229 = arith.constant 49152 : i32
    %add3A_230 = arith.addi %add3A_229, %mul3A_228 : i32
    %dma_wait3A_231 = arith.constant 1536 : i32
    %dma_wait3A_232 = tpu.memref_slice %arg9[%dma_wait3A_231] : memref<4096xf32, #tpu.memory_space<vmem>> -> memref<256xf32, #tpu.memory_space<vmem>>
    %dma_wait3A_233 = tpu.memref_slice %arg3[%add3A_230] : memref<131072xf32, #tpu.memory_space<hbm>> -> memref<256xf32, #tpu.memory_space<hbm>>
    %dma_wait3A_234 = arith.constant 1536 : i32
    %dma_wait3A_235 = tpu.memref_slice %arg9[%dma_wait3A_234] : memref<4096xf32, #tpu.memory_space<vmem>> -> memref<256xf32, #tpu.memory_space<vmem>>
    %dma_wait3A_236 = tpu.memref_slice %arg3[%add3A_230] : memref<131072xf32, #tpu.memory_space<hbm>> -> memref<256xf32, #tpu.memory_space<hbm>>
    tpu.wait_dma2 semaphore(%arg15 : memref<!tpu.dma_semaphore, #tpu.memory_space<semaphore_mem>>) src(%dma_wait3A_236 : memref<256xf32, #tpu.memory_space<hbm>>) dst(%dma_wait3A_235 : memref<256xf32, #tpu.memory_space<vmem>>)
    %mul3A_237 = arith.constant 256 : i32
    %mul3A_238 = arith.muli %add3A, %mul3A_237 : i32
    %add3A_239 = arith.constant 57344 : i32
    %add3A_240 = arith.addi %add3A_239, %mul3A_238 : i32
    %dma_wait3A_241 = arith.constant 1792 : i32
    %dma_wait3A_242 = tpu.memref_slice %arg9[%dma_wait3A_241] : memref<4096xf32, #tpu.memory_space<vmem>> -> memref<256xf32, #tpu.memory_space<vmem>>
    %dma_wait3A_243 = tpu.memref_slice %arg3[%add3A_240] : memref<131072xf32, #tpu.memory_space<hbm>> -> memref<256xf32, #tpu.memory_space<hbm>>
    %dma_wait3A_244 = arith.constant 1792 : i32
    %dma_wait3A_245 = tpu.memref_slice %arg9[%dma_wait3A_244] : memref<4096xf32, #tpu.memory_space<vmem>> -> memref<256xf32, #tpu.memory_space<vmem>>
    %dma_wait3A_246 = tpu.memref_slice %arg3[%add3A_240] : memref<131072xf32, #tpu.memory_space<hbm>> -> memref<256xf32, #tpu.memory_space<hbm>>
    tpu.wait_dma2 semaphore(%arg15 : memref<!tpu.dma_semaphore, #tpu.memory_space<semaphore_mem>>) src(%dma_wait3A_246 : memref<256xf32, #tpu.memory_space<hbm>>) dst(%dma_wait3A_245 : memref<256xf32, #tpu.memory_space<vmem>>)
    %mul3A_247 = arith.constant 256 : i32
    %mul3A_248 = arith.muli %add3A, %mul3A_247 : i32
    %add3A_249 = arith.constant 65536 : i32
    %add3A_250 = arith.addi %add3A_249, %mul3A_248 : i32
    %dma_wait3A_251 = arith.constant 2048 : i32
    %dma_wait3A_252 = tpu.memref_slice %arg9[%dma_wait3A_251] : memref<4096xf32, #tpu.memory_space<vmem>> -> memref<256xf32, #tpu.memory_space<vmem>>
    %dma_wait3A_253 = tpu.memref_slice %arg3[%add3A_250] : memref<131072xf32, #tpu.memory_space<hbm>> -> memref<256xf32, #tpu.memory_space<hbm>>
    %dma_wait3A_254 = arith.constant 2048 : i32
    %dma_wait3A_255 = tpu.memref_slice %arg9[%dma_wait3A_254] : memref<4096xf32, #tpu.memory_space<vmem>> -> memref<256xf32, #tpu.memory_space<vmem>>
    %dma_wait3A_256 = tpu.memref_slice %arg3[%add3A_250] : memref<131072xf32, #tpu.memory_space<hbm>> -> memref<256xf32, #tpu.memory_space<hbm>>
    tpu.wait_dma2 semaphore(%arg15 : memref<!tpu.dma_semaphore, #tpu.memory_space<semaphore_mem>>) src(%dma_wait3A_256 : memref<256xf32, #tpu.memory_space<hbm>>) dst(%dma_wait3A_255 : memref<256xf32, #tpu.memory_space<vmem>>)
    %mul3A_257 = arith.constant 256 : i32
    %mul3A_258 = arith.muli %add3A, %mul3A_257 : i32
    %add3A_259 = arith.constant 73728 : i32
    %add3A_260 = arith.addi %add3A_259, %mul3A_258 : i32
    %dma_wait3A_261 = arith.constant 2304 : i32
    %dma_wait3A_262 = tpu.memref_slice %arg9[%dma_wait3A_261] : memref<4096xf32, #tpu.memory_space<vmem>> -> memref<256xf32, #tpu.memory_space<vmem>>
    %dma_wait3A_263 = tpu.memref_slice %arg3[%add3A_260] : memref<131072xf32, #tpu.memory_space<hbm>> -> memref<256xf32, #tpu.memory_space<hbm>>
    %dma_wait3A_264 = arith.constant 2304 : i32
    %dma_wait3A_265 = tpu.memref_slice %arg9[%dma_wait3A_264] : memref<4096xf32, #tpu.memory_space<vmem>> -> memref<256xf32, #tpu.memory_space<vmem>>
    %dma_wait3A_266 = tpu.memref_slice %arg3[%add3A_260] : memref<131072xf32, #tpu.memory_space<hbm>> -> memref<256xf32, #tpu.memory_space<hbm>>
    tpu.wait_dma2 semaphore(%arg15 : memref<!tpu.dma_semaphore, #tpu.memory_space<semaphore_mem>>) src(%dma_wait3A_266 : memref<256xf32, #tpu.memory_space<hbm>>) dst(%dma_wait3A_265 : memref<256xf32, #tpu.memory_space<vmem>>)
    %mul3A_267 = arith.constant 256 : i32
    %mul3A_268 = arith.muli %add3A, %mul3A_267 : i32
    %add3A_269 = arith.constant 81920 : i32
    %add3A_270 = arith.addi %add3A_269, %mul3A_268 : i32
    %dma_wait3A_271 = arith.constant 2560 : i32
    %dma_wait3A_272 = tpu.memref_slice %arg9[%dma_wait3A_271] : memref<4096xf32, #tpu.memory_space<vmem>> -> memref<256xf32, #tpu.memory_space<vmem>>
    %dma_wait3A_273 = tpu.memref_slice %arg3[%add3A_270] : memref<131072xf32, #tpu.memory_space<hbm>> -> memref<256xf32, #tpu.memory_space<hbm>>
    %dma_wait3A_274 = arith.constant 2560 : i32
    %dma_wait3A_275 = tpu.memref_slice %arg9[%dma_wait3A_274] : memref<4096xf32, #tpu.memory_space<vmem>> -> memref<256xf32, #tpu.memory_space<vmem>>
    %dma_wait3A_276 = tpu.memref_slice %arg3[%add3A_270] : memref<131072xf32, #tpu.memory_space<hbm>> -> memref<256xf32, #tpu.memory_space<hbm>>
    tpu.wait_dma2 semaphore(%arg15 : memref<!tpu.dma_semaphore, #tpu.memory_space<semaphore_mem>>) src(%dma_wait3A_276 : memref<256xf32, #tpu.memory_space<hbm>>) dst(%dma_wait3A_275 : memref<256xf32, #tpu.memory_space<vmem>>)
    %mul3A_277 = arith.constant 256 : i32
    %mul3A_278 = arith.muli %add3A, %mul3A_277 : i32
    %add3A_279 = arith.constant 90112 : i32
    %add3A_280 = arith.addi %add3A_279, %mul3A_278 : i32
    %dma_wait3A_281 = arith.constant 2816 : i32
    %dma_wait3A_282 = tpu.memref_slice %arg9[%dma_wait3A_281] : memref<4096xf32, #tpu.memory_space<vmem>> -> memref<256xf32, #tpu.memory_space<vmem>>
    %dma_wait3A_283 = tpu.memref_slice %arg3[%add3A_280] : memref<131072xf32, #tpu.memory_space<hbm>> -> memref<256xf32, #tpu.memory_space<hbm>>
    %dma_wait3A_284 = arith.constant 2816 : i32
    %dma_wait3A_285 = tpu.memref_slice %arg9[%dma_wait3A_284] : memref<4096xf32, #tpu.memory_space<vmem>> -> memref<256xf32, #tpu.memory_space<vmem>>
    %dma_wait3A_286 = tpu.memref_slice %arg3[%add3A_280] : memref<131072xf32, #tpu.memory_space<hbm>> -> memref<256xf32, #tpu.memory_space<hbm>>
    tpu.wait_dma2 semaphore(%arg15 : memref<!tpu.dma_semaphore, #tpu.memory_space<semaphore_mem>>) src(%dma_wait3A_286 : memref<256xf32, #tpu.memory_space<hbm>>) dst(%dma_wait3A_285 : memref<256xf32, #tpu.memory_space<vmem>>)
    %mul3A_287 = arith.constant 256 : i32
    %mul3A_288 = arith.muli %add3A, %mul3A_287 : i32
    %add3A_289 = arith.constant 98304 : i32
    %add3A_290 = arith.addi %add3A_289, %mul3A_288 : i32
    %dma_wait3A_291 = arith.constant 3072 : i32
    %dma_wait3A_292 = tpu.memref_slice %arg9[%dma_wait3A_291] : memref<4096xf32, #tpu.memory_space<vmem>> -> memref<256xf32, #tpu.memory_space<vmem>>
    %dma_wait3A_293 = tpu.memref_slice %arg3[%add3A_290] : memref<131072xf32, #tpu.memory_space<hbm>> -> memref<256xf32, #tpu.memory_space<hbm>>
    %dma_wait3A_294 = arith.constant 3072 : i32
    %dma_wait3A_295 = tpu.memref_slice %arg9[%dma_wait3A_294] : memref<4096xf32, #tpu.memory_space<vmem>> -> memref<256xf32, #tpu.memory_space<vmem>>
    %dma_wait3A_296 = tpu.memref_slice %arg3[%add3A_290] : memref<131072xf32, #tpu.memory_space<hbm>> -> memref<256xf32, #tpu.memory_space<hbm>>
    tpu.wait_dma2 semaphore(%arg15 : memref<!tpu.dma_semaphore, #tpu.memory_space<semaphore_mem>>) src(%dma_wait3A_296 : memref<256xf32, #tpu.memory_space<hbm>>) dst(%dma_wait3A_295 : memref<256xf32, #tpu.memory_space<vmem>>)
    %mul3A_297 = arith.constant 256 : i32
    %mul3A_298 = arith.muli %add3A, %mul3A_297 : i32
    %add3A_299 = arith.constant 106496 : i32
    %add3A_300 = arith.addi %add3A_299, %mul3A_298 : i32
    %dma_wait3A_301 = arith.constant 3328 : i32
    %dma_wait3A_302 = tpu.memref_slice %arg9[%dma_wait3A_301] : memref<4096xf32, #tpu.memory_space<vmem>> -> memref<256xf32, #tpu.memory_space<vmem>>
    %dma_wait3A_303 = tpu.memref_slice %arg3[%add3A_300] : memref<131072xf32, #tpu.memory_space<hbm>> -> memref<256xf32, #tpu.memory_space<hbm>>
    %dma_wait3A_304 = arith.constant 3328 : i32
    %dma_wait3A_305 = tpu.memref_slice %arg9[%dma_wait3A_304] : memref<4096xf32, #tpu.memory_space<vmem>> -> memref<256xf32, #tpu.memory_space<vmem>>
    %dma_wait3A_306 = tpu.memref_slice %arg3[%add3A_300] : memref<131072xf32, #tpu.memory_space<hbm>> -> memref<256xf32, #tpu.memory_space<hbm>>
    tpu.wait_dma2 semaphore(%arg15 : memref<!tpu.dma_semaphore, #tpu.memory_space<semaphore_mem>>) src(%dma_wait3A_306 : memref<256xf32, #tpu.memory_space<hbm>>) dst(%dma_wait3A_305 : memref<256xf32, #tpu.memory_space<vmem>>)
    %mul3A_307 = arith.constant 256 : i32
    %mul3A_308 = arith.muli %add3A, %mul3A_307 : i32
    %add3A_309 = arith.constant 114688 : i32
    %add3A_310 = arith.addi %add3A_309, %mul3A_308 : i32
    %dma_wait3A_311 = arith.constant 3584 : i32
    %dma_wait3A_312 = tpu.memref_slice %arg9[%dma_wait3A_311] : memref<4096xf32, #tpu.memory_space<vmem>> -> memref<256xf32, #tpu.memory_space<vmem>>
    %dma_wait3A_313 = tpu.memref_slice %arg3[%add3A_310] : memref<131072xf32, #tpu.memory_space<hbm>> -> memref<256xf32, #tpu.memory_space<hbm>>
    %dma_wait3A_314 = arith.constant 3584 : i32
    %dma_wait3A_315 = tpu.memref_slice %arg9[%dma_wait3A_314] : memref<4096xf32, #tpu.memory_space<vmem>> -> memref<256xf32, #tpu.memory_space<vmem>>
    %dma_wait3A_316 = tpu.memref_slice %arg3[%add3A_310] : memref<131072xf32, #tpu.memory_space<hbm>> -> memref<256xf32, #tpu.memory_space<hbm>>
    tpu.wait_dma2 semaphore(%arg15 : memref<!tpu.dma_semaphore, #tpu.memory_space<semaphore_mem>>) src(%dma_wait3A_316 : memref<256xf32, #tpu.memory_space<hbm>>) dst(%dma_wait3A_315 : memref<256xf32, #tpu.memory_space<vmem>>)
    %mul3A_317 = arith.constant 256 : i32
    %mul3A_318 = arith.muli %add3A, %mul3A_317 : i32
    %add3A_319 = arith.constant 122880 : i32
    %add3A_320 = arith.addi %add3A_319, %mul3A_318 : i32
    %dma_wait3A_321 = arith.constant 3840 : i32
    %dma_wait3A_322 = tpu.memref_slice %arg9[%dma_wait3A_321] : memref<4096xf32, #tpu.memory_space<vmem>> -> memref<256xf32, #tpu.memory_space<vmem>>
    %dma_wait3A_323 = tpu.memref_slice %arg3[%add3A_320] : memref<131072xf32, #tpu.memory_space<hbm>> -> memref<256xf32, #tpu.memory_space<hbm>>
    %dma_wait3A_324 = arith.constant 3840 : i32
    %dma_wait3A_325 = tpu.memref_slice %arg9[%dma_wait3A_324] : memref<4096xf32, #tpu.memory_space<vmem>> -> memref<256xf32, #tpu.memory_space<vmem>>
    %dma_wait3A_326 = tpu.memref_slice %arg3[%add3A_320] : memref<131072xf32, #tpu.memory_space<hbm>> -> memref<256xf32, #tpu.memory_space<hbm>>
    tpu.wait_dma2 semaphore(%arg15 : memref<!tpu.dma_semaphore, #tpu.memory_space<semaphore_mem>>) src(%dma_wait3A_326 : memref<256xf32, #tpu.memory_space<hbm>>) dst(%dma_wait3A_325 : memref<256xf32, #tpu.memory_space<vmem>>)
    %iota3A = tpu.iota {dimensions = array<i32: 0>} : vector<16xi32>
    %and3A = arith.constant 3 : i32
    %and3A_327 = vector.broadcast %and3A : i32 to vector<16xi32>
    %and3A_328 = arith.andi %iota3A, %and3A_327 : vector<16xi32>
    %sub3A = arith.constant 3 : i32
    %sub3A_329 = vector.broadcast %sub3A : i32 to vector<16xi32>
    %sub3A_330 = arith.subi %sub3A_329, %and3A_328 : vector<16xi32>
    %shift_left3A = arith.constant 1 : i32
    %shift_left3A_331 = vector.broadcast %shift_left3A : i32 to vector<16xi32>
    %shift_left3A_332 = arith.shli %shift_left3A_331, %sub3A_330 : vector<16xi32>
    %xor3A = arith.constant 1 : i32
    %xor3A_333 = vector.broadcast %xor3A : i32 to vector<16xi32>
    %xor3A_334 = arith.xori %iota3A, %xor3A_333 : vector<16xi32>
    %xor3A_335 = arith.constant 2 : i32
    %xor3A_336 = vector.broadcast %xor3A_335 : i32 to vector<16xi32>
    %xor3A_337 = arith.xori %iota3A, %xor3A_336 : vector<16xi32>
    %and3A_338 = arith.constant 3 : i32
    %and3A_339 = vector.broadcast %and3A_338 : i32 to vector<16xi32>
    %and3A_340 = arith.andi %iota3A, %and3A_339 : vector<16xi32>
    %shift_left3A_341 = arith.constant 2 : i32
    %shift_left3A_342 = vector.broadcast %shift_left3A_341 : i32 to vector<16xi32>
    %shift_left3A_343 = arith.shli %and3A_340, %shift_left3A_342 : vector<16xi32>
    %lt3A = arith.constant 4 : i32
    %lt3A_344 = vector.broadcast %lt3A : i32 to vector<16xi32>
    %lt3A_345 = arith.cmpi slt, %iota3A, %lt3A_344 : vector<16xi32>
    %lt3A_346 = arith.constant 8 : i32
    %lt3A_347 = vector.broadcast %lt3A_346 : i32 to vector<16xi32>
    %lt3A_348 = arith.cmpi slt, %iota3A, %lt3A_347 : vector<16xi32>
    %lt3A_349 = arith.constant 12 : i32
    %lt3A_350 = vector.broadcast %lt3A_349 : i32 to vector<16xi32>
    %lt3A_351 = arith.cmpi slt, %iota3A, %lt3A_350 : vector<16xi32>
    %parallel_loop3A = arith.constant 0 : i32
    %parallel_loop3A_352 = arith.constant 256 : i32
    %parallel_loop3A_353 = arith.constant 1 : i32
    scf.for %parallel_loop3A_376 = %parallel_loop3A to %parallel_loop3A_352 step %parallel_loop3A_353  : i32 {
      %parallel_loop3A_377 = arith.constant 1 : i32
      %parallel_loop3A_378 = arith.shrsi %parallel_loop3A_376, %parallel_loop3A_377 : i32
      %parallel_loop3A_379 = arith.constant 1 : i32
      %parallel_loop3A_380 = arith.andi %parallel_loop3A_376, %parallel_loop3A_379 : i32
      %parallel_loop3A_381 = arith.constant 256 : i32
      %parallel_loop3A_382 = vector.broadcast %parallel_loop3A_381 : i32 to vector<16xi32>
      %parallel_loop3A_383 = arith.muli %iota3A, %parallel_loop3A_382 : vector<16xi32>
      %parallel_loop3A_384 = arith.constant 128 : i32
      %parallel_loop3A_385 = arith.muli %parallel_loop3A_380, %parallel_loop3A_384 : i32
      %parallel_loop3A_386 = vector.broadcast %parallel_loop3A_385 : i32 to vector<16xi32>
      %parallel_loop3A_387 = arith.addi %parallel_loop3A_383, %parallel_loop3A_386 : vector<16xi32>
      %parallel_loop3A_388 = vector.broadcast %parallel_loop3A_378 : i32 to vector<16xi32>
      %parallel_loop3A_389 = arith.addi %parallel_loop3A_387, %parallel_loop3A_388 : vector<16xi32>
      %parallel_loop3A_390 = tpu.vector_load_idx %arg9[%parallel_loop3A_389] : memref<4096xf32, #tpu.memory_space<vmem>>[vector<16xi32>], vector<16xf32>,
      %parallel_loop3A_391 = arith.constant 16 : i32
      %parallel_loop3A_392 = arith.muli %parallel_loop3A_376, %parallel_loop3A_391 : i32
      %parallel_loop3A_393 = arith.index_cast %parallel_loop3A_392 : i32 to index
      %parallel_loop3A_394 = tpu.vector_load %arg10[%parallel_loop3A_393] {strides = array<i32>} : memref<4096xf32, #tpu.memory_space<vmem>>, vector<16xf32>,
      tpu.vector_store %arg10[%parallel_loop3A_393], %parallel_loop3A_390 {strides = array<i32>} : memref<4096xf32, #tpu.memory_space<vmem>>, vector<16xf32>,
    } {sc.loop_unroll_factor = 8 : i64, sc.parallel_access}
    %scan3A = arith.constant 0 : i32
    %scan3A_354 = arith.constant 0 : i32
    %scan3A_355 = arith.constant 64 : i32
    %scan3A_356 = arith.addi %scan3A_354, %scan3A_355 : i32
    %scan3A_357 = arith.constant 1 : i32
    %scan3A_358 = scf.for %scan3A_376 = %scan3A_354 to %scan3A_356 step %scan3A_357 iter_args(%scan3A_377 = %scan3A) -> (i32)  : i32 {
      %mul3A_378 = arith.constant 2 : i32
      %mul3A_379 = arith.muli %mul3A_378, %scan3A_376 : i32
      %add3A_380 = arith.constant 0 : i32
      %add3A_381 = arith.addi %mul3A_379, %add3A_380 : i32
      %add3A_382 = arith.addi %mul3A_2, %add3A_381 : i32
      %add3A_383 = arith.constant 1 : i32
      %add3A_384 = arith.addi %add3A_381, %add3A_383 : i32
      %lt3A_385 = arith.constant 128 : i32
      %lt3A_386 = arith.cmpi slt, %add3A_384, %lt3A_385 : i32
      %convert_element_type3A = arith.extui %lt3A_386 : i1 to i32
      %cond3A = arith.constant 0 : i32
      %cond3A_387 = arith.cmpi ne, %convert_element_type3A, %cond3A : i32
      scf.if %cond3A_387 {
        %add3A_440 = arith.constant 1 : i32
        %add3A_441 = arith.addi %add3A_382, %add3A_440 : i32
        %dma_start3A_442 = arith.constant 0 : i32
        %dma_start3A_443 = tpu.memref_slice %arg2[%add3A_441, %dma_start3A_442] : memref<4096x8192xi32, #tpu.memory_space<hbm>> -> memref<1x8192xi32, #tpu.memory_space<hbm>>
        %dma_start3A_444 = tpu.memref_squeeze %dma_start3A_443 : memref<1x8192xi32, #tpu.memory_space<hbm>> -> memref<8192xi32, #tpu.memory_space<hbm>>
        %dma_start3A_445 = arith.constant 0 : i32
        %dma_start3A_446 = tpu.memref_slice %arg2[%add3A_441, %dma_start3A_445] : memref<4096x8192xi32, #tpu.memory_space<hbm>> -> memref<1x8192xi32, #tpu.memory_space<hbm>>
        %dma_start3A_447 = tpu.memref_squeeze %dma_start3A_446 : memref<1x8192xi32, #tpu.memory_space<hbm>> -> memref<8192xi32, #tpu.memory_space<hbm>>
        tpu.enqueue_dma source(%dma_start3A_447 : memref<8192xi32, #tpu.memory_space<hbm>>) target(%arg6 : memref<8192xi32, #tpu.memory_space<vmem>>) target_semaphore(%arg12 : memref<!tpu.dma_semaphore, #tpu.memory_space<semaphore_mem>>)
      } else {
      }
      %dma_wait3A_388 = arith.constant 0 : i32
      %dma_wait3A_389 = tpu.memref_slice %arg2[%add3A_382, %dma_wait3A_388] : memref<4096x8192xi32, #tpu.memory_space<hbm>> -> memref<1x8192xi32, #tpu.memory_space<hbm>>
      %dma_wait3A_390 = tpu.memref_squeeze %dma_wait3A_389 : memref<1x8192xi32, #tpu.memory_space<hbm>> -> memref<8192xi32, #tpu.memory_space<hbm>>
      %dma_wait3A_391 = arith.constant 0 : i32
      %dma_wait3A_392 = tpu.memref_slice %arg2[%add3A_382, %dma_wait3A_391] : memref<4096x8192xi32, #tpu.memory_space<hbm>> -> memref<1x8192xi32, #tpu.memory_space<hbm>>
      %dma_wait3A_393 = tpu.memref_squeeze %dma_wait3A_392 : memref<1x8192xi32, #tpu.memory_space<hbm>> -> memref<8192xi32, #tpu.memory_space<hbm>>
      tpu.wait_dma2 semaphore(%arg11 : memref<!tpu.dma_semaphore, #tpu.memory_space<semaphore_mem>>) src(%dma_wait3A_393 : memref<8192xi32, #tpu.memory_space<hbm>>) dst(%arg5 : memref<8192xi32, #tpu.memory_space<vmem>>)
      %ge3A = arith.constant 2 : i32
      %ge3A_394 = arith.cmpi sge, %add3A_381, %ge3A : i32
      %convert_element_type3A_395 = arith.extui %ge3A_394 : i1 to i32
      %cond3A_396 = arith.constant 0 : i32
      %cond3A_397 = arith.cmpi ne, %convert_element_type3A_395, %cond3A_396 : i32
      scf.if %cond3A_397 {
        %sub3A_440 = arith.constant 2 : i32
        %sub3A_441 = arith.subi %add3A_382, %sub3A_440 : i32
        %mul3A_442 = arith.constant 4096 : i32
        %mul3A_443 = arith.muli %sub3A_441, %mul3A_442 : i32
        %dma_wait3A_444 = tpu.memref_slice %arg4[%mul3A_443] : memref<16777216xf32, #tpu.memory_space<hbm>> -> memref<4096xf32, #tpu.memory_space<hbm>>
        %dma_wait3A_445 = tpu.memref_slice %arg4[%mul3A_443] : memref<16777216xf32, #tpu.memory_space<hbm>> -> memref<4096xf32, #tpu.memory_space<hbm>>
        tpu.wait_dma2 semaphore(%arg13 : memref<!tpu.dma_semaphore, #tpu.memory_space<semaphore_mem>>) src(%arg7 : memref<4096xf32, #tpu.memory_space<vmem>>) dst(%dma_wait3A_445 : memref<4096xf32, #tpu.memory_space<hbm>>)
      } else {
      }
      %shift_left3A_398 = arith.constant 5 : i32
      %shift_left3A_399 = arith.shli %add3A_381, %shift_left3A_398 : i32
      %parallel_loop3A_400 = arith.constant 0 : i32
      %parallel_loop3A_401 = arith.constant 128 : i32
      %parallel_loop3A_402 = arith.constant 1 : i32
      scf.for %parallel_loop3A_440 = %parallel_loop3A_400 to %parallel_loop3A_401 step %parallel_loop3A_402  : i32 {
        %parallel_loop3A_441 = arith.constant 64 : i32
        %parallel_loop3A_442 = arith.muli %parallel_loop3A_440, %parallel_loop3A_441 : i32
        %parallel_loop3A_443 = arith.index_cast %parallel_loop3A_442 : i32 to index
        %parallel_loop3A_444 = tpu.vector_load %arg5[%parallel_loop3A_443] {strides = array<i32>} : memref<8192xi32, #tpu.memory_space<vmem>>, vector<16xi32>,
        %parallel_loop3A_445 = arith.constant 64 : i32
        %parallel_loop3A_446 = arith.muli %parallel_loop3A_440, %parallel_loop3A_445 : i32
        %parallel_loop3A_447 = arith.constant 16 : i32
        %parallel_loop3A_448 = arith.addi %parallel_loop3A_446, %parallel_loop3A_447 : i32
        %parallel_loop3A_449 = arith.index_cast %parallel_loop3A_448 : i32 to index
        %parallel_loop3A_450 = tpu.vector_load %arg5[%parallel_loop3A_449] {strides = array<i32>} : memref<8192xi32, #tpu.memory_space<vmem>>, vector<16xi32>,
        %parallel_loop3A_451 = arith.constant 64 : i32
        %parallel_loop3A_452 = arith.muli %parallel_loop3A_440, %parallel_loop3A_451 : i32
        %parallel_loop3A_453 = arith.constant 32 : i32
        %parallel_loop3A_454 = arith.addi %parallel_loop3A_452, %parallel_loop3A_453 : i32
        %parallel_loop3A_455 = arith.index_cast %parallel_loop3A_454 : i32 to index
        %parallel_loop3A_456 = tpu.vector_load %arg5[%parallel_loop3A_455] {strides = array<i32>} : memref<8192xi32, #tpu.memory_space<vmem>>, vector<16xi32>,
        %parallel_loop3A_457 = arith.constant 64 : i32
        %parallel_loop3A_458 = arith.muli %parallel_loop3A_440, %parallel_loop3A_457 : i32
        %parallel_loop3A_459 = arith.constant 48 : i32
        %parallel_loop3A_460 = arith.addi %parallel_loop3A_458, %parallel_loop3A_459 : i32
        %parallel_loop3A_461 = arith.index_cast %parallel_loop3A_460 : i32 to index
        %parallel_loop3A_462 = tpu.vector_load %arg5[%parallel_loop3A_461] {strides = array<i32>} : memref<8192xi32, #tpu.memory_space<vmem>>, vector<16xi32>,
        %parallel_loop3A_463 = arith.muli %parallel_loop3A_444, %shift_left3A_332 : vector<16xi32>
        %parallel_loop3A_464 = arith.muli %parallel_loop3A_450, %shift_left3A_332 : vector<16xi32>
        %parallel_loop3A_465 = arith.muli %parallel_loop3A_456, %shift_left3A_332 : vector<16xi32>
        %parallel_loop3A_466 = arith.muli %parallel_loop3A_462, %shift_left3A_332 : vector<16xi32>
        %parallel_loop3A_467 = vector.shape_cast %xor3A_334 : vector<16xi32> to vector<16x1xi32>
        %parallel_loop3A_468 = vector.shape_cast %parallel_loop3A_467 : vector<16x1xi32> to vector<16xi32>
        %parallel_loop3A_469 = tpu.dynamic_gather %parallel_loop3A_463[%parallel_loop3A_468] in [0] : vector<16xi32>, vector<16xi32> -> vector<16xi32>
        %parallel_loop3A_470 = arith.addi %parallel_loop3A_463, %parallel_loop3A_469 : vector<16xi32>
        %parallel_loop3A_471 = vector.shape_cast %xor3A_337 : vector<16xi32> to vector<16x1xi32>
        %parallel_loop3A_472 = vector.shape_cast %parallel_loop3A_471 : vector<16x1xi32> to vector<16xi32>
        %parallel_loop3A_473 = tpu.dynamic_gather %parallel_loop3A_470[%parallel_loop3A_472] in [0] : vector<16xi32>, vector<16xi32> -> vector<16xi32>
        %parallel_loop3A_474 = arith.addi %parallel_loop3A_470, %parallel_loop3A_473 : vector<16xi32>
        %parallel_loop3A_475 = vector.shape_cast %xor3A_334 : vector<16xi32> to vector<16x1xi32>
        %parallel_loop3A_476 = vector.shape_cast %parallel_loop3A_475 : vector<16x1xi32> to vector<16xi32>
        %parallel_loop3A_477 = tpu.dynamic_gather %parallel_loop3A_464[%parallel_loop3A_476] in [0] : vector<16xi32>, vector<16xi32> -> vector<16xi32>
        %parallel_loop3A_478 = arith.addi %parallel_loop3A_464, %parallel_loop3A_477 : vector<16xi32>
        %parallel_loop3A_479 = vector.shape_cast %xor3A_337 : vector<16xi32> to vector<16x1xi32>
        %parallel_loop3A_480 = vector.shape_cast %parallel_loop3A_479 : vector<16x1xi32> to vector<16xi32>
        %parallel_loop3A_481 = tpu.dynamic_gather %parallel_loop3A_478[%parallel_loop3A_480] in [0] : vector<16xi32>, vector<16xi32> -> vector<16xi32>
        %parallel_loop3A_482 = arith.addi %parallel_loop3A_478, %parallel_loop3A_481 : vector<16xi32>
        %parallel_loop3A_483 = vector.shape_cast %xor3A_334 : vector<16xi32> to vector<16x1xi32>
        %parallel_loop3A_484 = vector.shape_cast %parallel_loop3A_483 : vector<16x1xi32> to vector<16xi32>
        %parallel_loop3A_485 = tpu.dynamic_gather %parallel_loop3A_465[%parallel_loop3A_484] in [0] : vector<16xi32>, vector<16xi32> -> vector<16xi32>
        %parallel_loop3A_486 = arith.addi %parallel_loop3A_465, %parallel_loop3A_485 : vector<16xi32>
        %parallel_loop3A_487 = vector.shape_cast %xor3A_337 : vector<16xi32> to vector<16x1xi32>
        %parallel_loop3A_488 = vector.shape_cast %parallel_loop3A_487 : vector<16x1xi32> to vector<16xi32>
        %parallel_loop3A_489 = tpu.dynamic_gather %parallel_loop3A_486[%parallel_loop3A_488] in [0] : vector<16xi32>, vector<16xi32> -> vector<16xi32>
        %parallel_loop3A_490 = arith.addi %parallel_loop3A_486, %parallel_loop3A_489 : vector<16xi32>
        %parallel_loop3A_491 = vector.shape_cast %xor3A_334 : vector<16xi32> to vector<16x1xi32>
        %parallel_loop3A_492 = vector.shape_cast %parallel_loop3A_491 : vector<16x1xi32> to vector<16xi32>
        %parallel_loop3A_493 = tpu.dynamic_gather %parallel_loop3A_466[%parallel_loop3A_492] in [0] : vector<16xi32>, vector<16xi32> -> vector<16xi32>
        %parallel_loop3A_494 = arith.addi %parallel_loop3A_466, %parallel_loop3A_493 : vector<16xi32>
        %parallel_loop3A_495 = vector.shape_cast %xor3A_337 : vector<16xi32> to vector<16x1xi32>
        %parallel_loop3A_496 = vector.shape_cast %parallel_loop3A_495 : vector<16x1xi32> to vector<16xi32>
        %parallel_loop3A_497 = tpu.dynamic_gather %parallel_loop3A_494[%parallel_loop3A_496] in [0] : vector<16xi32>, vector<16xi32> -> vector<16xi32>
        %parallel_loop3A_498 = arith.addi %parallel_loop3A_494, %parallel_loop3A_497 : vector<16xi32>
        %parallel_loop3A_499 = vector.shape_cast %shift_left3A_343 : vector<16xi32> to vector<16x1xi32>
        %parallel_loop3A_500 = vector.shape_cast %parallel_loop3A_499 : vector<16x1xi32> to vector<16xi32>
        %parallel_loop3A_501 = tpu.dynamic_gather %parallel_loop3A_474[%parallel_loop3A_500] in [0] : vector<16xi32>, vector<16xi32> -> vector<16xi32>
        %parallel_loop3A_502 = vector.shape_cast %shift_left3A_343 : vector<16xi32> to vector<16x1xi32>
        %parallel_loop3A_503 = vector.shape_cast %parallel_loop3A_502 : vector<16x1xi32> to vector<16xi32>
        %parallel_loop3A_504 = tpu.dynamic_gather %parallel_loop3A_482[%parallel_loop3A_503] in [0] : vector<16xi32>, vector<16xi32> -> vector<16xi32>
        %parallel_loop3A_505 = vector.shape_cast %shift_left3A_343 : vector<16xi32> to vector<16x1xi32>
        %parallel_loop3A_506 = vector.shape_cast %parallel_loop3A_505 : vector<16x1xi32> to vector<16xi32>
        %parallel_loop3A_507 = tpu.dynamic_gather %parallel_loop3A_490[%parallel_loop3A_506] in [0] : vector<16xi32>, vector<16xi32> -> vector<16xi32>
        %parallel_loop3A_508 = vector.shape_cast %shift_left3A_343 : vector<16xi32> to vector<16x1xi32>
        %parallel_loop3A_509 = vector.shape_cast %parallel_loop3A_508 : vector<16x1xi32> to vector<16xi32>
        %parallel_loop3A_510 = tpu.dynamic_gather %parallel_loop3A_498[%parallel_loop3A_509] in [0] : vector<16xi32>, vector<16xi32> -> vector<16xi32>
        %parallel_loop3A_511 = arith.select %lt3A_351, %parallel_loop3A_507, %parallel_loop3A_510 : vector<16xi1>, vector<16xi32>
        %parallel_loop3A_512 = arith.select %lt3A_348, %parallel_loop3A_504, %parallel_loop3A_511 : vector<16xi1>, vector<16xi32>
        %parallel_loop3A_513 = arith.select %lt3A_345, %parallel_loop3A_501, %parallel_loop3A_512 : vector<16xi1>, vector<16xi32>
        %parallel_loop3A_514 = vector.broadcast %shift_left3A_399 : i32 to vector<16xi32>
        %parallel_loop3A_515 = arith.addi %parallel_loop3A_514, %parallel_loop3A_513 : vector<16xi32>
        %parallel_loop3A_516 = arith.constant 16 : i32
        %parallel_loop3A_517 = arith.muli %parallel_loop3A_440, %parallel_loop3A_516 : i32
        %parallel_loop3A_518 = arith.constant 3 : i32
        %parallel_loop3A_519 = arith.shrsi %parallel_loop3A_440, %parallel_loop3A_518 : i32
        %parallel_loop3A_520 = arith.constant 128 : i32
        %parallel_loop3A_521 = arith.muli %parallel_loop3A_519, %parallel_loop3A_520 : i32
        %parallel_loop3A_522 = arith.addi %parallel_loop3A_517, %parallel_loop3A_521 : i32
        %parallel_loop3A_523 = tpu.vector_load_idx %arg10[%parallel_loop3A_515] : memref<4096xf32, #tpu.memory_space<vmem>>[vector<16xi32>], vector<16xf32>,
        %parallel_loop3A_524 = arith.index_cast %parallel_loop3A_522 : i32 to index
        %parallel_loop3A_525 = tpu.vector_load %arg7[%parallel_loop3A_524] {strides = array<i32>} : memref<4096xf32, #tpu.memory_space<vmem>>, vector<16xf32>,
        tpu.vector_store %arg7[%parallel_loop3A_524], %parallel_loop3A_523 {strides = array<i32>} : memref<4096xf32, #tpu.memory_space<vmem>>, vector<16xf32>,
        %parallel_loop3A_526 = arith.constant 16 : i32
        %parallel_loop3A_527 = vector.broadcast %parallel_loop3A_526 : i32 to vector<16xi32>
        %parallel_loop3A_528 = arith.addi %parallel_loop3A_515, %parallel_loop3A_527 : vector<16xi32>
        %parallel_loop3A_529 = tpu.vector_load_idx %arg10[%parallel_loop3A_528] : memref<4096xf32, #tpu.memory_space<vmem>>[vector<16xi32>], vector<16xf32>,
        %parallel_loop3A_530 = arith.constant 128 : i32
        %parallel_loop3A_531 = arith.addi %parallel_loop3A_522, %parallel_loop3A_530 : i32
        %parallel_loop3A_532 = arith.index_cast %parallel_loop3A_531 : i32 to index
        %parallel_loop3A_533 = tpu.vector_load %arg7[%parallel_loop3A_532] {strides = array<i32>} : memref<4096xf32, #tpu.memory_space<vmem>>, vector<16xf32>,
        tpu.vector_store %arg7[%parallel_loop3A_532], %parallel_loop3A_529 {strides = array<i32>} : memref<4096xf32, #tpu.memory_space<vmem>>, vector<16xf32>,
      } {sc.loop_unroll_factor = 8 : i64, sc.parallel_access}
      %mul3A_403 = arith.constant 4096 : i32
      %mul3A_404 = arith.muli %add3A_382, %mul3A_403 : i32
      %dma_start3A_405 = tpu.memref_slice %arg4[%mul3A_404] : memref<16777216xf32, #tpu.memory_space<hbm>> -> memref<4096xf32, #tpu.memory_space<hbm>>
      %dma_start3A_406 = tpu.memref_slice %arg4[%mul3A_404] : memref<16777216xf32, #tpu.memory_space<hbm>> -> memref<4096xf32, #tpu.memory_space<hbm>>
      tpu.enqueue_dma source(%arg7 : memref<4096xf32, #tpu.memory_space<vmem>>) target(%dma_start3A_406 : memref<4096xf32, #tpu.memory_space<hbm>>) target_semaphore(%arg13 : memref<!tpu.dma_semaphore, #tpu.memory_space<semaphore_mem>>)
      %mul3A_407 = arith.constant 2 : i32
      %mul3A_408 = arith.muli %mul3A_407, %scan3A_376 : i32
      %add3A_409 = arith.constant 1 : i32
      %add3A_410 = arith.addi %mul3A_408, %add3A_409 : i32
      %add3A_411 = arith.addi %mul3A_2, %add3A_410 : i32
      %add3A_412 = arith.constant 1 : i32
      %add3A_413 = arith.addi %add3A_410, %add3A_412 : i32
      %lt3A_414 = arith.constant 128 : i32
      %lt3A_415 = arith.cmpi slt, %add3A_413, %lt3A_414 : i32
      %convert_element_type3A_416 = arith.extui %lt3A_415 : i1 to i32
      %cond3A_417 = arith.constant 0 : i32
      %cond3A_418 = arith.cmpi ne, %convert_element_type3A_416, %cond3A_417 : i32
      scf.if %cond3A_418 {
        %add3A_440 = arith.constant 1 : i32
        %add3A_441 = arith.addi %add3A_411, %add3A_440 : i32
        %dma_start3A_442 = arith.constant 0 : i32
        %dma_start3A_443 = tpu.memref_slice %arg2[%add3A_441, %dma_start3A_442] : memref<4096x8192xi32, #tpu.memory_space<hbm>> -> memref<1x8192xi32, #tpu.memory_space<hbm>>
        %dma_start3A_444 = tpu.memref_squeeze %dma_start3A_443 : memref<1x8192xi32, #tpu.memory_space<hbm>> -> memref<8192xi32, #tpu.memory_space<hbm>>
        %dma_start3A_445 = arith.constant 0 : i32
        %dma_start3A_446 = tpu.memref_slice %arg2[%add3A_441, %dma_start3A_445] : memref<4096x8192xi32, #tpu.memory_space<hbm>> -> memref<1x8192xi32, #tpu.memory_space<hbm>>
        %dma_start3A_447 = tpu.memref_squeeze %dma_start3A_446 : memref<1x8192xi32, #tpu.memory_space<hbm>> -> memref<8192xi32, #tpu.memory_space<hbm>>
        tpu.enqueue_dma source(%dma_start3A_447 : memref<8192xi32, #tpu.memory_space<hbm>>) target(%arg5 : memref<8192xi32, #tpu.memory_space<vmem>>) target_semaphore(%arg11 : memref<!tpu.dma_semaphore, #tpu.memory_space<semaphore_mem>>)
      } else {
      }
      %dma_wait3A_419 = arith.constant 0 : i32
      %dma_wait3A_420 = tpu.memref_slice %arg2[%add3A_411, %dma_wait3A_419] : memref<4096x8192xi32, #tpu.memory_space<hbm>> -> memref<1x8192xi32, #tpu.memory_space<hbm>>
      %dma_wait3A_421 = tpu.memref_squeeze %dma_wait3A_420 : memref<1x8192xi32, #tpu.memory_space<hbm>> -> memref<8192xi32, #tpu.memory_space<hbm>>
      %dma_wait3A_422 = arith.constant 0 : i32
      %dma_wait3A_423 = tpu.memref_slice %arg2[%add3A_411, %dma_wait3A_422] : memref<4096x8192xi32, #tpu.memory_space<hbm>> -> memref<1x8192xi32, #tpu.memory_space<hbm>>
      %dma_wait3A_424 = tpu.memref_squeeze %dma_wait3A_423 : memref<1x8192xi32, #tpu.memory_space<hbm>> -> memref<8192xi32, #tpu.memory_space<hbm>>
      tpu.wait_dma2 semaphore(%arg12 : memref<!tpu.dma_semaphore, #tpu.memory_space<semaphore_mem>>) src(%dma_wait3A_424 : memref<8192xi32, #tpu.memory_space<hbm>>) dst(%arg6 : memref<8192xi32, #tpu.memory_space<vmem>>)
      %ge3A_425 = arith.constant 2 : i32
      %ge3A_426 = arith.cmpi sge, %add3A_410, %ge3A_425 : i32
      %convert_element_type3A_427 = arith.extui %ge3A_426 : i1 to i32
      %cond3A_428 = arith.constant 0 : i32
      %cond3A_429 = arith.cmpi ne, %convert_element_type3A_427, %cond3A_428 : i32
      scf.if %cond3A_429 {
        %sub3A_440 = arith.constant 2 : i32
        %sub3A_441 = arith.subi %add3A_411, %sub3A_440 : i32
        %mul3A_442 = arith.constant 4096 : i32
        %mul3A_443 = arith.muli %sub3A_441, %mul3A_442 : i32
        %dma_wait3A_444 = tpu.memref_slice %arg4[%mul3A_443] : memref<16777216xf32, #tpu.memory_space<hbm>> -> memref<4096xf32, #tpu.memory_space<hbm>>
        %dma_wait3A_445 = tpu.memref_slice %arg4[%mul3A_443] : memref<16777216xf32, #tpu.memory_space<hbm>> -> memref<4096xf32, #tpu.memory_space<hbm>>
        tpu.wait_dma2 semaphore(%arg14 : memref<!tpu.dma_semaphore, #tpu.memory_space<semaphore_mem>>) src(%arg8 : memref<4096xf32, #tpu.memory_space<vmem>>) dst(%dma_wait3A_445 : memref<4096xf32, #tpu.memory_space<hbm>>)
      } else {
      }
      %shift_left3A_430 = arith.constant 5 : i32
      %shift_left3A_431 = arith.shli %add3A_410, %shift_left3A_430 : i32
      %parallel_loop3A_432 = arith.constant 0 : i32
      %parallel_loop3A_433 = arith.constant 128 : i32
      %parallel_loop3A_434 = arith.constant 1 : i32
      scf.for %parallel_loop3A_440 = %parallel_loop3A_432 to %parallel_loop3A_433 step %parallel_loop3A_434  : i32 {
        %parallel_loop3A_441 = arith.constant 64 : i32
        %parallel_loop3A_442 = arith.muli %parallel_loop3A_440, %parallel_loop3A_441 : i32
        %parallel_loop3A_443 = arith.index_cast %parallel_loop3A_442 : i32 to index
        %parallel_loop3A_444 = tpu.vector_load %arg6[%parallel_loop3A_443] {strides = array<i32>} : memref<8192xi32, #tpu.memory_space<vmem>>, vector<16xi32>,
        %parallel_loop3A_445 = arith.constant 64 : i32
        %parallel_loop3A_446 = arith.muli %parallel_loop3A_440, %parallel_loop3A_445 : i32
        %parallel_loop3A_447 = arith.constant 16 : i32
        %parallel_loop3A_448 = arith.addi %parallel_loop3A_446, %parallel_loop3A_447 : i32
        %parallel_loop3A_449 = arith.index_cast %parallel_loop3A_448 : i32 to index
        %parallel_loop3A_450 = tpu.vector_load %arg6[%parallel_loop3A_449] {strides = array<i32>} : memref<8192xi32, #tpu.memory_space<vmem>>, vector<16xi32>,
        %parallel_loop3A_451 = arith.constant 64 : i32
        %parallel_loop3A_452 = arith.muli %parallel_loop3A_440, %parallel_loop3A_451 : i32
        %parallel_loop3A_453 = arith.constant 32 : i32
        %parallel_loop3A_454 = arith.addi %parallel_loop3A_452, %parallel_loop3A_453 : i32
        %parallel_loop3A_455 = arith.index_cast %parallel_loop3A_454 : i32 to index
        %parallel_loop3A_456 = tpu.vector_load %arg6[%parallel_loop3A_455] {strides = array<i32>} : memref<8192xi32, #tpu.memory_space<vmem>>, vector<16xi32>,
        %parallel_loop3A_457 = arith.constant 64 : i32
        %parallel_loop3A_458 = arith.muli %parallel_loop3A_440, %parallel_loop3A_457 : i32
        %parallel_loop3A_459 = arith.constant 48 : i32
        %parallel_loop3A_460 = arith.addi %parallel_loop3A_458, %parallel_loop3A_459 : i32
        %parallel_loop3A_461 = arith.index_cast %parallel_loop3A_460 : i32 to index
        %parallel_loop3A_462 = tpu.vector_load %arg6[%parallel_loop3A_461] {strides = array<i32>} : memref<8192xi32, #tpu.memory_space<vmem>>, vector<16xi32>,
        %parallel_loop3A_463 = arith.muli %parallel_loop3A_444, %shift_left3A_332 : vector<16xi32>
        %parallel_loop3A_464 = arith.muli %parallel_loop3A_450, %shift_left3A_332 : vector<16xi32>
        %parallel_loop3A_465 = arith.muli %parallel_loop3A_456, %shift_left3A_332 : vector<16xi32>
        %parallel_loop3A_466 = arith.muli %parallel_loop3A_462, %shift_left3A_332 : vector<16xi32>
        %parallel_loop3A_467 = vector.shape_cast %xor3A_334 : vector<16xi32> to vector<16x1xi32>
        %parallel_loop3A_468 = vector.shape_cast %parallel_loop3A_467 : vector<16x1xi32> to vector<16xi32>
        %parallel_loop3A_469 = tpu.dynamic_gather %parallel_loop3A_463[%parallel_loop3A_468] in [0] : vector<16xi32>, vector<16xi32> -> vector<16xi32>
        %parallel_loop3A_470 = arith.addi %parallel_loop3A_463, %parallel_loop3A_469 : vector<16xi32>
        %parallel_loop3A_471 = vector.shape_cast %xor3A_337 : vector<16xi32> to vector<16x1xi32>
        %parallel_loop3A_472 = vector.shape_cast %parallel_loop3A_471 : vector<16x1xi32> to vector<16xi32>
        %parallel_loop3A_473 = tpu.dynamic_gather %parallel_loop3A_470[%parallel_loop3A_472] in [0] : vector<16xi32>, vector<16xi32> -> vector<16xi32>
        %parallel_loop3A_474 = arith.addi %parallel_loop3A_470, %parallel_loop3A_473 : vector<16xi32>
        %parallel_loop3A_475 = vector.shape_cast %xor3A_334 : vector<16xi32> to vector<16x1xi32>
        %parallel_loop3A_476 = vector.shape_cast %parallel_loop3A_475 : vector<16x1xi32> to vector<16xi32>
        %parallel_loop3A_477 = tpu.dynamic_gather %parallel_loop3A_464[%parallel_loop3A_476] in [0] : vector<16xi32>, vector<16xi32> -> vector<16xi32>
        %parallel_loop3A_478 = arith.addi %parallel_loop3A_464, %parallel_loop3A_477 : vector<16xi32>
        %parallel_loop3A_479 = vector.shape_cast %xor3A_337 : vector<16xi32> to vector<16x1xi32>
        %parallel_loop3A_480 = vector.shape_cast %parallel_loop3A_479 : vector<16x1xi32> to vector<16xi32>
        %parallel_loop3A_481 = tpu.dynamic_gather %parallel_loop3A_478[%parallel_loop3A_480] in [0] : vector<16xi32>, vector<16xi32> -> vector<16xi32>
        %parallel_loop3A_482 = arith.addi %parallel_loop3A_478, %parallel_loop3A_481 : vector<16xi32>
        %parallel_loop3A_483 = vector.shape_cast %xor3A_334 : vector<16xi32> to vector<16x1xi32>
        %parallel_loop3A_484 = vector.shape_cast %parallel_loop3A_483 : vector<16x1xi32> to vector<16xi32>
        %parallel_loop3A_485 = tpu.dynamic_gather %parallel_loop3A_465[%parallel_loop3A_484] in [0] : vector<16xi32>, vector<16xi32> -> vector<16xi32>
        %parallel_loop3A_486 = arith.addi %parallel_loop3A_465, %parallel_loop3A_485 : vector<16xi32>
        %parallel_loop3A_487 = vector.shape_cast %xor3A_337 : vector<16xi32> to vector<16x1xi32>
        %parallel_loop3A_488 = vector.shape_cast %parallel_loop3A_487 : vector<16x1xi32> to vector<16xi32>
        %parallel_loop3A_489 = tpu.dynamic_gather %parallel_loop3A_486[%parallel_loop3A_488] in [0] : vector<16xi32>, vector<16xi32> -> vector<16xi32>
        %parallel_loop3A_490 = arith.addi %parallel_loop3A_486, %parallel_loop3A_489 : vector<16xi32>
        %parallel_loop3A_491 = vector.shape_cast %xor3A_334 : vector<16xi32> to vector<16x1xi32>
        %parallel_loop3A_492 = vector.shape_cast %parallel_loop3A_491 : vector<16x1xi32> to vector<16xi32>
        %parallel_loop3A_493 = tpu.dynamic_gather %parallel_loop3A_466[%parallel_loop3A_492] in [0] : vector<16xi32>, vector<16xi32> -> vector<16xi32>
        %parallel_loop3A_494 = arith.addi %parallel_loop3A_466, %parallel_loop3A_493 : vector<16xi32>
        %parallel_loop3A_495 = vector.shape_cast %xor3A_337 : vector<16xi32> to vector<16x1xi32>
        %parallel_loop3A_496 = vector.shape_cast %parallel_loop3A_495 : vector<16x1xi32> to vector<16xi32>
        %parallel_loop3A_497 = tpu.dynamic_gather %parallel_loop3A_494[%parallel_loop3A_496] in [0] : vector<16xi32>, vector<16xi32> -> vector<16xi32>
        %parallel_loop3A_498 = arith.addi %parallel_loop3A_494, %parallel_loop3A_497 : vector<16xi32>
        %parallel_loop3A_499 = vector.shape_cast %shift_left3A_343 : vector<16xi32> to vector<16x1xi32>
        %parallel_loop3A_500 = vector.shape_cast %parallel_loop3A_499 : vector<16x1xi32> to vector<16xi32>
        %parallel_loop3A_501 = tpu.dynamic_gather %parallel_loop3A_474[%parallel_loop3A_500] in [0] : vector<16xi32>, vector<16xi32> -> vector<16xi32>
        %parallel_loop3A_502 = vector.shape_cast %shift_left3A_343 : vector<16xi32> to vector<16x1xi32>
        %parallel_loop3A_503 = vector.shape_cast %parallel_loop3A_502 : vector<16x1xi32> to vector<16xi32>
        %parallel_loop3A_504 = tpu.dynamic_gather %parallel_loop3A_482[%parallel_loop3A_503] in [0] : vector<16xi32>, vector<16xi32> -> vector<16xi32>
        %parallel_loop3A_505 = vector.shape_cast %shift_left3A_343 : vector<16xi32> to vector<16x1xi32>
        %parallel_loop3A_506 = vector.shape_cast %parallel_loop3A_505 : vector<16x1xi32> to vector<16xi32>
        %parallel_loop3A_507 = tpu.dynamic_gather %parallel_loop3A_490[%parallel_loop3A_506] in [0] : vector<16xi32>, vector<16xi32> -> vector<16xi32>
        %parallel_loop3A_508 = vector.shape_cast %shift_left3A_343 : vector<16xi32> to vector<16x1xi32>
        %parallel_loop3A_509 = vector.shape_cast %parallel_loop3A_508 : vector<16x1xi32> to vector<16xi32>
        %parallel_loop3A_510 = tpu.dynamic_gather %parallel_loop3A_498[%parallel_loop3A_509] in [0] : vector<16xi32>, vector<16xi32> -> vector<16xi32>
        %parallel_loop3A_511 = arith.select %lt3A_351, %parallel_loop3A_507, %parallel_loop3A_510 : vector<16xi1>, vector<16xi32>
        %parallel_loop3A_512 = arith.select %lt3A_348, %parallel_loop3A_504, %parallel_loop3A_511 : vector<16xi1>, vector<16xi32>
        %parallel_loop3A_513 = arith.select %lt3A_345, %parallel_loop3A_501, %parallel_loop3A_512 : vector<16xi1>, vector<16xi32>
        %parallel_loop3A_514 = vector.broadcast %shift_left3A_431 : i32 to vector<16xi32>
        %parallel_loop3A_515 = arith.addi %parallel_loop3A_514, %parallel_loop3A_513 : vector<16xi32>
        %parallel_loop3A_516 = arith.constant 16 : i32
        %parallel_loop3A_517 = arith.muli %parallel_loop3A_440, %parallel_loop3A_516 : i32
        %parallel_loop3A_518 = arith.constant 3 : i32
        %parallel_loop3A_519 = arith.shrsi %parallel_loop3A_440, %parallel_loop3A_518 : i32
        %parallel_loop3A_520 = arith.constant 128 : i32
        %parallel_loop3A_521 = arith.muli %parallel_loop3A_519, %parallel_loop3A_520 : i32
        %parallel_loop3A_522 = arith.addi %parallel_loop3A_517, %parallel_loop3A_521 : i32
        %parallel_loop3A_523 = tpu.vector_load_idx %arg10[%parallel_loop3A_515] : memref<4096xf32, #tpu.memory_space<vmem>>[vector<16xi32>], vector<16xf32>,
        %parallel_loop3A_524 = arith.index_cast %parallel_loop3A_522 : i32 to index
        %parallel_loop3A_525 = tpu.vector_load %arg8[%parallel_loop3A_524] {strides = array<i32>} : memref<4096xf32, #tpu.memory_space<vmem>>, vector<16xf32>,
        tpu.vector_store %arg8[%parallel_loop3A_524], %parallel_loop3A_523 {strides = array<i32>} : memref<4096xf32, #tpu.memory_space<vmem>>, vector<16xf32>,
        %parallel_loop3A_526 = arith.constant 16 : i32
        %parallel_loop3A_527 = vector.broadcast %parallel_loop3A_526 : i32 to vector<16xi32>
        %parallel_loop3A_528 = arith.addi %parallel_loop3A_515, %parallel_loop3A_527 : vector<16xi32>
        %parallel_loop3A_529 = tpu.vector_load_idx %arg10[%parallel_loop3A_528] : memref<4096xf32, #tpu.memory_space<vmem>>[vector<16xi32>], vector<16xf32>,
        %parallel_loop3A_530 = arith.constant 128 : i32
        %parallel_loop3A_531 = arith.addi %parallel_loop3A_522, %parallel_loop3A_530 : i32
        %parallel_loop3A_532 = arith.index_cast %parallel_loop3A_531 : i32 to index
        %parallel_loop3A_533 = tpu.vector_load %arg8[%parallel_loop3A_532] {strides = array<i32>} : memref<4096xf32, #tpu.memory_space<vmem>>, vector<16xf32>,
        tpu.vector_store %arg8[%parallel_loop3A_532], %parallel_loop3A_529 {strides = array<i32>} : memref<4096xf32, #tpu.memory_space<vmem>>, vector<16xf32>,
      } {sc.loop_unroll_factor = 8 : i64, sc.parallel_access}
      %mul3A_435 = arith.constant 4096 : i32
      %mul3A_436 = arith.muli %add3A_411, %mul3A_435 : i32
      %dma_start3A_437 = tpu.memref_slice %arg4[%mul3A_436] : memref<16777216xf32, #tpu.memory_space<hbm>> -> memref<4096xf32, #tpu.memory_space<hbm>>
      %dma_start3A_438 = tpu.memref_slice %arg4[%mul3A_436] : memref<16777216xf32, #tpu.memory_space<hbm>> -> memref<4096xf32, #tpu.memory_space<hbm>>
      tpu.enqueue_dma source(%arg8 : memref<4096xf32, #tpu.memory_space<vmem>>) target(%dma_start3A_438 : memref<4096xf32, #tpu.memory_space<hbm>>) target_semaphore(%arg14 : memref<!tpu.dma_semaphore, #tpu.memory_space<semaphore_mem>>)
      %scan3A_439 = arith.constant 0 : i32
      scf.yield %scan3A_439 : i32
    }
    %scan3A_359 = arith.constant 64 : i32
    %add3A_360 = arith.constant 128 : i32
    %add3A_361 = arith.addi %mul3A_2, %add3A_360 : i32
    %sub3A_362 = arith.constant 2 : i32
    %sub3A_363 = arith.subi %add3A_361, %sub3A_362 : i32
    %add3A_364 = arith.constant 128 : i32
    %add3A_365 = arith.addi %mul3A_2, %add3A_364 : i32
    %sub3A_366 = arith.constant 1 : i32
    %sub3A_367 = arith.subi %add3A_365, %sub3A_366 : i32
    %mul3A_368 = arith.constant 4096 : i32
    %mul3A_369 = arith.muli %sub3A_363, %mul3A_368 : i32
    %dma_wait3A_370 = tpu.memref_slice %arg4[%mul3A_369] : memref<16777216xf32, #tpu.memory_space<hbm>> -> memref<4096xf32, #tpu.memory_space<hbm>>
    %dma_wait3A_371 = tpu.memref_slice %arg4[%mul3A_369] : memref<16777216xf32, #tpu.memory_space<hbm>> -> memref<4096xf32, #tpu.memory_space<hbm>>
    tpu.wait_dma2 semaphore(%arg13 : memref<!tpu.dma_semaphore, #tpu.memory_space<semaphore_mem>>) src(%arg7 : memref<4096xf32, #tpu.memory_space<vmem>>) dst(%dma_wait3A_371 : memref<4096xf32, #tpu.memory_space<hbm>>)
    %mul3A_372 = arith.constant 4096 : i32
    %mul3A_373 = arith.muli %sub3A_367, %mul3A_372 : i32
    %dma_wait3A_374 = tpu.memref_slice %arg4[%mul3A_373] : memref<16777216xf32, #tpu.memory_space<hbm>> -> memref<4096xf32, #tpu.memory_space<hbm>>
    %dma_wait3A_375 = tpu.memref_slice %arg4[%mul3A_373] : memref<16777216xf32, #tpu.memory_space<hbm>> -> memref<4096xf32, #tpu.memory_space<hbm>>
    tpu.wait_dma2 semaphore(%arg14 : memref<!tpu.dma_semaphore, #tpu.memory_space<semaphore_mem>>) src(%arg8 : memref<4096xf32, #tpu.memory_space<vmem>>) dst(%dma_wait3A_375 : memref<4096xf32, #tpu.memory_space<hbm>>)
    return
  }
}

</mosaic_0001>

<sc_bundles>
// kernel: _run.3.cloned.1.call-start
scs
__scs_entry_jumppad:
0x0: {  	(pc) =	sbr.rel $0x88, $3  }
0x1: {  	(tag) =	ssettag $0x0;
	lr =	simm.s32 $0x1  }
0x2: {  	[smem:$0x3F9F] =	sst lr;
	_ =	strace $0xD0000000  }
0x3: {  	_ = 	snop  }
0x4: {  	_ = 	snop  }
0x5: {  	_ = 	snop  }
0x6: {  	_ = 	snop  }
0x7: {  	_ = 	snop  }
__scs_overlays_trampoline_lowered:
0x8: {  	[smem:$0x3FAE] =	sst s0  }
0x9: {  	[smem:$0x3FAF] =	sst s1  }
0xa: {  	[smem:$0x3FB0] =	sst s2  }
0xb: {  	[smem:$0x3FB1] =	sst s3  }
0xc: {  	[smem:$0x3FB2] =	sst s4  }
0xd: {  	[smem:$0x3FB3] =	sst s5  }
0xe: {  	[smem:$0x3FB4] =	sst s6  }
0xf: {  	[smem:$0x3FB5] =	sst s7  }
0x10: {  	[smem:$0x3FB6] =	sst s8  }
0x11: {  	[smem:$0x3FB7] =	sst s9;
	s0 =	simm.s32 @!p0 $0x0  }
0x12: {  	s1 =	sld [smem:$0x3F9D];
	s0 =	simm.s32 @p0 $0x1  }
0x13: {  	[smem:$0x3FB8] =	sst s0;
	s0 =	simm.s32 @!p1 $0x0  }
0x14: {  	s2 =	sld [smem:$0x3F9C];
	s0 =	simm.s32 @p1 $0x1  }
0x15: {  	[smem:$0x3FB9] =	sst s0;
	s0 =	simm.s32 @!p2 $0x0  }
0x16: {  	s3 =	sld [smem:$0x3FDB];
	s0 =	simm.s32 @p2 $0x1  }
0x17: {  	s4 =	simm.s32 $0x1BF5;
	[smem:$0x3FBB] =	sst s0  }
0x18: {  	s0 =	sld [smem:$0x3F9E];
	_ =	swait.ge [sflag:s4], $0x0  }
0x19: {  	s7 =	sld [smem:$0x3F9F]  }
0x1a: {  	s8 =	sadd.s32 $0xFFFFE003, lr  }
0x1b: {  	s9 =	sadd.s32 $0xFFFFFEF7, lr;
	s5 =	simm.s32 $0xFFFFFFFF;
	p2 =	slt.u32 s8, $0xFFFFF086  }
0x1c: {  	p1 =	slt.u32 s9, $0xF7A;
	s5 =	simm.s32 @!p2 $0x0  }
0x1d: {  	s5 =	simm.s32 @p1 $0x1;
	p0 =	seq.s32 s7, s2  }
0x1e: {  	s7 =	smul.u32 @!p0 $0xF7A, s2;
	p2 =	seq.s32 @!p0 s5, $0x0  }
0x1f: {  	s9 =	smul.u32 $0xF7A, s1;
	s8 =	simm.s32 @!p0 $0x1BF5;
	p2 =	por !p2, p0  }
0x20: {  	[sflag:s8] =	ssyncset.s32 @!p0 $0xFFFFF086;
	s6 =	sadd.s32 @!p0 s3, s7;
	s7 =	simm.s32 @!p0 $0x108  }
0x21: {  	s3 =	sadd.s32 s3, s9;
	s6 =	sadd.s32 @!p0 $0x88, s6;
	s7 =	simm.s32 @p2 $0x1082  }
0x22: {  	[simem:s7], [sflag:s8] =	dma.local @!p0 [hbm:s6], $0xF7A  }
0x23: {  	s9 =	sor.u32 $0xD0000000, s2;
	s6 =	simm.s32 $0x108;
	_ =	swait.ge @!p0 [sflag:s8], $0x0  }
0x24: {  	s3 =	sadd.s32 $0x88, s3;
	s6 =	simm.s32 @!p1 $0x1082;
	[sflag:s4] =	ssyncset.s32 $0xFFFFF086  }
0x25: {  	[simem:s6], [sflag:s4] =	dma.local [hbm:s3], $0xF7A  }
0x26: {  	[smem:$0x3F9F] =	sst s1;
	(tag) =	ssettag s2;
	_ =	strace s9  }
0x27: {  	s1 =	sld [smem:$0x3FAF]  }
0x28: {  	s2 =	sld [smem:$0x3FB0]  }
0x29: {  	s4 =	sld [smem:$0x3FB2]  }
0x2a: {  	p0 =	seq.s32 s5, $0x0;
	s5 =	sld [smem:$0x3FB3]  }
0x2b: {  	s6 =	sld [smem:$0x3FB4]  }
0x2c: {  	s7 =	sld [smem:$0x3FB5]  }
0x2d: {  	s3 =	simm.s32 $0x108;
	s8 =	sld [smem:$0x3FB6]  }
0x2e: {  	s3 =	simm.s32 @!p0 $0x1082;
	s9 =	sld [smem:$0x3FB7]  }
0x2f: {  	lr =	sadd.s32 s0, s3;
	s0 =	sld [smem:$0x3FAE]  }
0x30: {  	s3 =	sld [smem:$0x3FB1]  }
0x31: {  	[smem:$0x3FBA] =	sst s10  }
0x32: {  	s10 =	sld [smem:$0x3FB8];
	_ =	sdelay $0x3  }
0x33: {  	p0 =	seq.s32 s10, $0x1;
	s10 =	sld [smem:$0x3FBA];
	_ =	sdelay $0x3  }
0x34: {  	[smem:$0x3FBA] =	sst s10  }
0x35: {  	s10 =	sld [smem:$0x3FB9];
	_ =	sdelay $0x3  }
0x36: {  	p1 =	seq.s32 s10, $0x1;
	s10 =	sld [smem:$0x3FBA];
	_ =	sdelay $0x3  }
0x37: {  	[smem:$0x3FBA] =	sst s10  }
0x38: {  	s10 =	sld [smem:$0x3FBB]  }
0x39: {  	_ = 	snop;
	(pc) =	sbr.ind lr, $3  }
0x3a: {  	_ = 	snop  }
0x3b: {  	_ = 	snop  }
0x3c: {  	p2 =	seq.s32 s10, $0x1;
	s10 =	sld [smem:$0x3FBA]  }
0x3d: {  	_ =	shalt  }
0x3e: {  	_ =	shalt  }
0x3f: {  	_ =	shalt  }
0x40: {  	_ =	shalt  }
0x41: {  	_ =	shalt  }
0x42: {  	_ =	shalt  }
0x43: {  	_ =	shalt  }
0x44: {  	_ =	shalt  }
0x45: {  	_ =	shalt  }
0x46: {  	_ =	shalt  }
0x47: {  	_ =	shalt  }
0x48: {  	_ =	shalt  }
0x49: {  	_ =	shalt  }
0x4a: {  	_ =	shalt  }
0x4b: {  	_ =	shalt  }
0x4c: {  	_ =	shalt  }
0x4d: {  	_ =	shalt  }
0x4e: {  	_ =	shalt  }
0x4f: {  	_ =	shalt  }
0x50: {  	_ =	shalt  }
0x51: {  	_ =	shalt  }
0x52: {  	_ =	shalt  }
0x53: {  	_ =	shalt  }
0x54: {  	_ =	shalt  }
0x55: {  	_ =	shalt  }
0x56: {  	_ =	shalt  }
0x57: {  	_ =	shalt  }
0x58: {  	_ =	shalt  }
0x59: {  	_ =	shalt  }
0x5a: {  	_ =	shalt  }
0x5b: {  	_ =	shalt  }
0x5c: {  	_ =	shalt  }
0x5d: {  	_ =	shalt  }
0x5e: {  	_ =	shalt  }
0x5f: {  	_ =	shalt  }
0x60: {  	_ =	shalt  }
0x61: {  	_ =	shalt  }
0x62: {  	_ =	shalt  }
0x63: {  	_ =	shalt  }
0x64: {  	_ =	shalt  }
0x65: {  	_ =	shalt  }
0x66: {  	_ =	shalt  }
0x67: {  	_ =	shalt  }
0x68: {  	_ =	shalt  }
0x69: {  	_ =	shalt  }
0x6a: {  	_ =	shalt  }
0x6b: {  	_ =	shalt  }
0x6c: {  	_ =	shalt  }
0x6d: {  	_ =	shalt  }
0x6e: {  	_ =	shalt  }
0x6f: {  	_ =	shalt  }
0x70: {  	_ =	shalt  }
0x71: {  	_ =	shalt  }
0x72: {  	_ =	shalt  }
0x73: {  	_ =	shalt  }
0x74: {  	_ =	shalt  }
0x75: {  	_ =	shalt  }
0x76: {  	_ =	shalt  }
0x77: {  	_ =	shalt  }
0x78: {  	_ =	shalt  }
0x79: {  	_ =	shalt  }
0x7a: {  	_ =	shalt  }
0x7b: {  	_ =	shalt  }
0x7c: {  	_ =	shalt  }
0x7d: {  	_ =	shalt  }
0x7e: {  	_ =	shalt  }
0x7f: {  	_ =	shalt  }
0x80: {  	_ =	shalt  }
0x81: {  	_ =	shalt  }
0x82: {  	_ =	shalt  }
0x83: {  	_ =	shalt  }
0x84: {  	_ =	shalt  }
0x85: {  	_ =	shalt  }
0x86: {  	_ =	shalt  }
0x87: {  	_ =	shalt  }
.Lfunc_end0:
.L_simem_size_0:
called_computation_lowered:
.L_overlay_start_0:
0x88: {  	s2 =	sld [smem:$0x3FD9]  }
0x89: {  	s3 =	sld [smem:$0x3FFE];
	_ =	sdelay $0x1  }
0x8a: {  	s1 =	srdreg.scid  }
0x8b: {  	s0 =	sand.u32 $0x1, s1  }
0x8c: {  	s18 =	sshll.u32 s0, $0xA;
	s2 =	sadd.s32 s3, s2  }
0x8d: {  	s2 =	sadd.s32 s2, s18  }
0x8e: {  	[smem:$0x3FC6] =	sst s2  }
0x8f: {  	_ = 	snop  }
0x90: {  	s2 =	sld [smem:$0x3FC9]  }
0x91: {  	s19 =	sld [smem:$0x3FC8]  }
0x92: {  	s4 =	sld [smem:$0x3FD0];
	(tm) =	ssettm $0x1  }
0x93: {  	s5 =	sld [smem:$0x3FFB];
	_ =	sdelay $0x3  }
0x94: {  	_ =	strace s5  }
0x95: {  	s5 =	sld [smem:$0x3FFC];
	_ =	sdelay $0x3  }
0x96: {  	_ =	strace s5  }
0x97: {  	s5 =	sld [smem:$0x3FFD];
	_ =	sdelay $0x3  }
0x98: {  	_ =	strace s5  }
0x99: {  	_ =	strace $0x8FFFFFFF  }
0x9a: {  	s20 =	sld [smem:$0x3FDB];
	_ =	sdelay $0x1  }
0x9b: {  	s6 =	simm.s32 $_scs_section_size  }
0x9c: {  	s7 =	simm.s32 $_size__tile_overlayer_lowered;
	s8 =	simm.s32 $_tile_overlayer_lowered  }
0x9d: {  	s23 =	simm.s32 $0x1BFF;
	s22 =	sshll.u32 s8, $0x1;
	s5 =	sadd.s32 s6, s20  }
0x9e: {  	s9 =	simm.s32 $0x0;
	s21 =	sshll.u32 s7, $0x1;
	s7 =	sadd.s32 s22, s5  }
0x9f: {  	[timem:s9], [sflag:s23] =	dma.local [hbm:s7], s21  }
0xa0: {  	_ =	swait.ge [sflag:s23], s21  }
0xa1: {  	s6 =	ssub.s32 $0x0, s21;
	[sflag:s23] =	ssyncset.done $0x0  }
0xa2: {  	[sflag:s23] =	ssyncadd.s32 s6;
	_ =	sdelay $0x1  }
0xa3: {  	s24 =	simm.s32 $0x1B8B  }
0xa4: {  	_ =	swait.ge [sflag:s24], $0x1  }
0xa5: {  	[sflag:s24] =	ssyncset.done $0x0  }
0xa6: {  	s25 =	simm.s32 $0x1B8E;
	[sflag:s24] =	ssyncadd.s32 $0xFFFFFFFF  }
0xa7: {  	s26 =	simm.s32 $execute0_lowered;
	[smem:$0x3FD2] =	sst s25  }
0xa8: {  	s6 =	sshll.u32 s26, $0x1;
	_ =	strace $0x80000046;
	[dreg:$0x1] =	wrdreg $0xFFFFFFFF  }
0xa9: {  	s28 =	simm.s32 $_size_execute0_lowered;
	s5 =	sadd.s32 s5, s6;
	[dreg:$0x0] =	wrdreg $0x0  }
0xaa: {  	s6 =	sshll.u32 s28, $0x1;
	[dreg:$0x2] =	wrdreg s5  }
0xab: {  	[dreg:$0x3] =	wrdreg s6  }
0xac: {  	[dreg:$0x4] =	wrdreg $0xC0  }
0xad: {  	_ =	task [dreg:s9], $0x5FFFF  }
0xae: {  	[dreg:$0x1] =	wrdreg $0xFFFFFFFF  }
0xaf: {  	[dreg:$0x0] =	wrdreg $0x60  }
0xb0: {  	[dreg:$0x2] =	wrdreg s2  }
0xb1: {  	[dreg:$0x3] =	wrdreg s19  }
0xb2: {  	[dreg:$0x4] =	wrdreg s4  }
0xb3: {  	[dreg:$0x5] =	wrdreg $0x9  }
0xb4: {  	_ =	task.clear_ibuf [dreg:s9], $0x6FFFF;
	_ =	strace $0x90000046  }
0xb5: {  	s29 =	simm.s32 $0x9;
	_ =	strace $0x80000048  }
0xb6: {  	_ =	swait.ge [sflag:s29], $0x1  }
0xb7: {  	[sflag:s29] =	ssyncadd.s32 $0xFFFFFFFF  }
0xb8: {  	_ =	strace $0x90000048  }
0xb9: {  	_ =	sfence  }
0xba: {  	s30 =	sld [smem:$0x0];
	_ =	sdelay $0x2  }
0xbb: {  	s31 =	sshll.u32 s1, $0xD;
	s1 =	sshrl.u32 s1, $0x2  }
0xbc: {  	s3 =	sand.u32 $0x4000, s31;
	s1 =	sadd.s32 s1, s30  }
0xbd: {  	s0 =	sor.u32 s3, s0;
	s1 =	sshll.u32 s1, $0x11  }
0xbe: {  	s0 =	sor.u32 s1, s0  }
0xbf: {  	s0 =	sadd.s32 $0x8F2B, s0  }
0xc0: {  	[sflag:s0] =	ssyncadd.remote.s32 $0x1  }
0xc1: {  	_ =	sfence.sel $0xFFFF  }
0xc2: {  	[dreg:$0x0] =	wrdreg $0xFFFFFFFF;
	(pc) =	sbr.abs _section_cstart, $3  }
0xc3: {  	[dreg:$0x1] =	wrdreg $0xFFFFFFFF  }
0xc4: {  	_ =	task.clear_ibuf [dreg:s9], $0x2FFFF;
	_ =	strace $0x9FFFFFFF  }
0xc5: {  	(tm) =	ssettm $0x7FFFFFFF  }
tec
execute0_lowered:
.L_overlay_start_1:
0x0: {  	(tag) =	ssettag $0x1  }
0x1: {  	s1 =	rddreg [dreg:$0x0]  }
0x2: {  	s0 =	rddreg [dreg:$0x1];
	s2 =	srdreg.scid  }
0x3: {  	s4 =	stileid.u32;
	s3 =	rddreg [dreg:$0x2]  }
0x4: {  	s2 =	sand.u32 $0x1, s2;
	s5 =	sshll.u32 s4, $0x1;
	s4 =	simm.s32 $0x0  }
0x5: {  	s7 =	sor.u32 s2, s5;
	[smem:$0x7FF] =	sst s4  }
0x6: {  	s2 =	ssub.s32 $0x2, s2;
	s5 =	sshll.u32 s7, $0x5;
	_ =	strace $0x80000047  }
0x7: {  	s6 =	sshrl.u32 s2, $0x1;
	s31 =	sshll.u32 s7, $0x11;
	s5 =	sadd.s32 s0, s5  }
0x8: {  	s12 =	ssub.s32 s2, s6;
	s2 =	sadd.s32 s1, s31;
	[dreg:$0x4] =	wrdreg s5  }
0x9: {  	s13 =	sadd.s32 $0x400, s5;
	[dreg:$0x14] =	wrdreg s2  }
0xa: {  	s14 =	sadd.s32 $0x800, s5;
	[dreg:$0x5] =	wrdreg s13  }
0xb: {  	s15 =	sadd.s32 $0xC00, s5;
	[dreg:$0x6] =	wrdreg s14  }
0xc: {  	s16 =	sadd.s32 $0x1000, s5;
	[dreg:$0x7] =	wrdreg s15  }
0xd: {  	s17 =	sadd.s32 $0x1400, s5;
	[dreg:$0x8] =	wrdreg s16  }
0xe: {  	s18 =	sadd.s32 $0x1800, s5;
	[dreg:$0x9] =	wrdreg s17  }
0xf: {  	s19 =	sadd.s32 $0x1C00, s5;
	[dreg:$0xa] =	wrdreg s18  }
0x10: {  	s20 =	sadd.s32 $0x2000, s5;
	[dreg:$0xb] =	wrdreg s19  }
0x11: {  	s21 =	sadd.s32 $0x2400, s5;
	[dreg:$0xc] =	wrdreg s20  }
0x12: {  	v1 =	vimm.s32 $0xEFCDAB89;
	v2 =	vimm.s32 $0x67452301;
	s22 =	sadd.s32 $0x2800, s5;
	[dreg:$0xd] =	wrdreg s21  }
0x13: {  	v3 =	vimm.s32 $0xDCFE98BA;
	v4 =	vimm.s32 $0x54761032;
	s29 =	simm.s32 $0x1;
	v1 =	vunpack.c.l.s4.s8 v1;
	s23 =	sadd.s32 $0x2C00, s5;
	[dreg:$0xe] =	wrdreg s22  }
0x14: {  	s30 =	simm.s32 $0x7000;
	v2 =	vunpack.c.l.s4.s8 v2;
	v3 =	vunpack.c.l.s4.s8 v3;
	v4 =	vunpack.c.l.s4.s8 v4;
	s24 =	sadd.s32 $0x3000, s5;
	[dreg:$0xf] =	wrdreg s23  }
0x15: {  	v0 =	vlaneseq.u32;
	vm0 =	vcmask $0x2F20;
	s8 =	simm.s32 $0x5000;
	v1 =	vunpack.c.0.s8.s32 v1;
	s25 =	sadd.s32 $0x3400, s5;
	[dreg:$0x10] =	wrdreg s24  }
0x16: {  	s9 =	simm.s32 $0x0;
	v2 =	vunpack.c.0.s8.s32 v2;
	v3 =	vunpack.c.0.s8.s32 v3;
	v4 =	vunpack.c.0.s8.s32 v4;
	s26 =	sadd.s32 $0x3800, s5;
	[dreg:$0x11] =	wrdreg s25  }
0x17: {  	vm1 =	vcmask $0x1F10;
	v5 =	vand.u32 $0x3, v0;
	v0 =	vmul.u32 $0x100, v0;
	s6 =	sshll.u32 s7, $0x7;
	s28 =	sadd.s32 $0x3C00, s5;
	[dreg:$0x12] =	wrdreg s26  }
0x18: {  	v6 =	vmul.u32 $0xFFFFFFFF, v5;
	s7 =	simm.s32 $0x4;
	s0 =	smax.u32 s12, $0x1;
	v7 =	vcombine.low v2, v1;
	v4 =	vcombine.low v4, v3;
	[dreg:$0x13] =	wrdreg s28  }
0x19: {  	vm2 =	vmmov $0xf;
	v5 =	vmul.u32 $0x4, v5;
	[tilespmem:$0x1FFE0] =	vst v0;
	v1 =	vor.u32 $0x80, v0;
	s2 =	simm.s32 $0x2;
	s23 =	simm.s32 $0x6000;
	[dreg:$0x15] =	wrdreg s0  }
0x1a: {  	v2 =	vadd.s32 $0x3, v6;
	s0 =	simm.s32 $0x80;
	s24 =	simm.s32 $0x400;
	s26 =	simm.s32 $0x5;
	[tilespmem:$0x1FFF0] =	vst v1;
	v3 =	vand.u32 $0xF, v7;
	v4 =	vand.u32 $0xF, v4  }
.LBB2_1:
0x1b: {  	[dreg:$0x16] =	wrdreg s9  }
0x1c: {  	s5 =	rddreg [dreg:$0x4]  }
0x1d: {  	[tilespmem:s23], [sflag:$0x5] =	stream.linear.gather [hbm4b:s5+s4], $0x100, $0x38;
	[tilespmem:$0x8000] =	vst v63  }
0x1e: {  	s22 =	rddreg [dreg:$0x5];
	s25 =	simm.s32 $0x6100  }
0x1f: {  	[tilespmem:s25], [sflag:$0x5] =	stream.linear.gather [hbm4b:s22+s4], $0x100, $0x38;
	[tilespmem:$0x8000] =	vst v63  }
0x20: {  	s28 =	rddreg [dreg:$0x6];
	s31 =	simm.s32 $0x6200  }
0x21: {  	[tilespmem:s31], [sflag:$0x5] =	stream.linear.gather [hbm4b:s28+s4], $0x100, $0x38;
	[tilespmem:$0x8000] =	vst v63  }
0x22: {  	s10 =	rddreg [dreg:$0x7];
	s11 =	simm.s32 $0x6300  }
0x23: {  	[tilespmem:s11], [sflag:$0x5] =	stream.linear.gather [hbm4b:s10+s4], $0x100, $0x38;
	[tilespmem:$0x8000] =	vst v63  }
0x24: {  	s12 =	rddreg [dreg:$0x8];
	s13 =	simm.s32 $0x6400  }
0x25: {  	[tilespmem:s13], [sflag:$0x5] =	stream.linear.gather [hbm4b:s12+s4], $0x100, $0x38;
	[tilespmem:$0x8000] =	vst v63  }
0x26: {  	s14 =	rddreg [dreg:$0x9];
	s15 =	simm.s32 $0x6500  }
0x27: {  	[tilespmem:s15], [sflag:$0x5] =	stream.linear.gather [hbm4b:s14+s4], $0x100, $0x38;
	[tilespmem:$0x8000] =	vst v63  }
0x28: {  	s16 =	rddreg [dreg:$0xa];
	s17 =	simm.s32 $0x6600  }
0x29: {  	[tilespmem:s17], [sflag:$0x5] =	stream.linear.gather [hbm4b:s16+s4], $0x100, $0x38;
	[tilespmem:$0x8000] =	vst v63  }
0x2a: {  	s18 =	rddreg [dreg:$0xb];
	s19 =	simm.s32 $0x6700  }
0x2b: {  	[tilespmem:s19], [sflag:$0x5] =	stream.linear.gather [hbm4b:s18+s4], $0x100, $0x38;
	[tilespmem:$0x8000] =	vst v63  }
0x2c: {  	s20 =	rddreg [dreg:$0xc];
	s21 =	simm.s32 $0x6800  }
0x2d: {  	[tilespmem:s21], [sflag:$0x5] =	stream.linear.gather [hbm4b:s20+s4], $0x100, $0x38;
	[tilespmem:$0x8000] =	vst v63  }
0x2e: {  	s22 =	rddreg [dreg:$0xd];
	s25 =	simm.s32 $0x6900  }
0x2f: {  	[tilespmem:s25], [sflag:$0x5] =	stream.linear.gather [hbm4b:s22+s4], $0x100, $0x38;
	[tilespmem:$0x8000] =	vst v63  }
0x30: {  	s28 =	rddreg [dreg:$0xe];
	s31 =	simm.s32 $0x6A00  }
0x31: {  	[tilespmem:s31], [sflag:$0x5] =	stream.linear.gather [hbm4b:s28+s4], $0x100, $0x38;
	[tilespmem:$0x8000] =	vst v63  }
0x32: {  	s9 =	rddreg [dreg:$0xf];
	s10 =	simm.s32 $0x6B00  }
0x33: {  	[tilespmem:s10], [sflag:$0x5] =	stream.linear.gather [hbm4b:s9+s4], $0x100, $0x38;
	[tilespmem:$0x8000] =	vst v63  }
0x34: {  	s11 =	rddreg [dreg:$0x10];
	s12 =	simm.s32 $0x6C00  }
0x35: {  	[tilespmem:s12], [sflag:$0x5] =	stream.linear.gather [hbm4b:s11+s4], $0x100, $0x38;
	[tilespmem:$0x8000] =	vst v63  }
0x36: {  	s13 =	rddreg [dreg:$0x11];
	s14 =	simm.s32 $0x6D00  }
0x37: {  	[tilespmem:s14], [sflag:$0x5] =	stream.linear.gather [hbm4b:s13+s4], $0x100, $0x38;
	[tilespmem:$0x8000] =	vst v63  }
0x38: {  	s15 =	rddreg [dreg:$0x12];
	s16 =	simm.s32 $0x6E00  }
0x39: {  	[tilespmem:s16], [sflag:$0x5] =	stream.linear.gather [hbm4b:s15+s4], $0x100, $0x38;
	[tilespmem:$0x8000] =	vst v63  }
0x3a: {  	s17 =	rddreg [dreg:$0x13];
	s18 =	simm.s32 $0x6F00  }
0x3b: {  	[tilespmem:s18], [sflag:$0x5] =	stream.linear.gather [hbm4b:s17+s4], $0x100, $0x38;
	[tilespmem:$0x8000] =	vst v63  }
0x3c: {  	s19 =	rddreg [dreg:$0x14]  }
0x3d: {  	[tilespmem:s4], [sflag:$0x1] =	stream.strided.gather [hbm4b:s19+s0], $0x2000, s24, s0, $0x38;
	[tilespmem:$0x8000] =	vst v63  }
0x3e: {  	_ =	swait.ge [sflag:s26], $0x100  }
0x3f: {  	[sflag:s26] =	ssyncset.done $0x0  }
0x40: {  	[sflag:s26] =	ssyncadd.s32 $0xFFFFFF00  }
0x41: {  	_ =	swait.ge [sflag:s26], $0x100  }
0x42: {  	[sflag:s26] =	ssyncset.done $0x0  }
0x43: {  	[sflag:s26] =	ssyncadd.s32 $0xFFFFFF00  }
0x44: {  	_ =	swait.ge [sflag:s26], $0x100  }
0x45: {  	[sflag:s26] =	ssyncset.done $0x0  }
0x46: {  	[sflag:s26] =	ssyncadd.s32 $0xFFFFFF00  }
0x47: {  	_ =	swait.ge [sflag:s26], $0x100  }
0x48: {  	[sflag:s26] =	ssyncset.done $0x0  }
0x49: {  	[sflag:s26] =	ssyncadd.s32 $0xFFFFFF00  }
0x4a: {  	_ =	swait.ge [sflag:s26], $0x100  }
0x4b: {  	[sflag:s26] =	ssyncset.done $0x0  }
0x4c: {  	[sflag:s26] =	ssyncadd.s32 $0xFFFFFF00  }
0x4d: {  	_ =	swait.ge [sflag:s26], $0x100  }
0x4e: {  	[sflag:s26] =	ssyncset.done $0x0  }
0x4f: {  	[sflag:s26] =	ssyncadd.s32 $0xFFFFFF00  }
0x50: {  	_ =	swait.ge [sflag:s26], $0x100  }
0x51: {  	[sflag:s26] =	ssyncset.done $0x0  }
0x52: {  	[sflag:s26] =	ssyncadd.s32 $0xFFFFFF00  }
0x53: {  	_ =	swait.ge [sflag:s26], $0x100  }
0x54: {  	[sflag:s26] =	ssyncset.done $0x0  }
0x55: {  	[sflag:s26] =	ssyncadd.s32 $0xFFFFFF00  }
0x56: {  	_ =	swait.ge [sflag:s26], $0x100  }
0x57: {  	[sflag:s26] =	ssyncset.done $0x0  }
0x58: {  	[sflag:s26] =	ssyncadd.s32 $0xFFFFFF00  }
0x59: {  	_ =	swait.ge [sflag:s26], $0x100  }
0x5a: {  	[sflag:s26] =	ssyncset.done $0x0  }
0x5b: {  	[sflag:s26] =	ssyncadd.s32 $0xFFFFFF00  }
0x5c: {  	_ =	swait.ge [sflag:s26], $0x100  }
0x5d: {  	[sflag:s26] =	ssyncset.done $0x0  }
0x5e: {  	[sflag:s26] =	ssyncadd.s32 $0xFFFFFF00  }
0x5f: {  	_ =	swait.ge [sflag:s26], $0x100  }
0x60: {  	[sflag:s26] =	ssyncset.done $0x0  }
0x61: {  	[sflag:s26] =	ssyncadd.s32 $0xFFFFFF00  }
0x62: {  	_ =	swait.ge [sflag:s26], $0x100  }
0x63: {  	[sflag:s26] =	ssyncset.done $0x0  }
0x64: {  	[sflag:s26] =	ssyncadd.s32 $0xFFFFFF00  }
0x65: {  	_ =	swait.ge [sflag:s26], $0x100  }
0x66: {  	v6 =	vmov s4;
	[sflag:s26] =	ssyncset.done $0x0  }
0x67: {  	v6 =	vand.u32 $0x7C, v6;
	s11 =	simm.s32 $0x1;
	[sflag:s26] =	ssyncadd.s32 $0xFFFFFF00  }
0x68: {  	v6 =	vbroadcast v6, $0x0;
	s12 =	simm.s32 $0x3;
	v7 =	vmov s11;
	_ =	swait.ge [sflag:s26], $0x100  }
0x69: {  	s20 =	simm.s32 $0x2;
	v8 =	vor.u32 s12, v1;
	v7 =	vand.u32 $0x7D, v7;
	[sflag:s26] =	ssyncset.done $0x0  }
0x6a: {  	v10 =	vor.u32 v0, v6;
	v9 =	vmov s20;
	v7 =	vbroadcast v7, $0x0;
	[sflag:s26] =	ssyncadd.s32 $0xFFFFFF00  }
0x6b: {  	v6 =	vor.u32 v1, v6;
	v9 =	vand.u32 $0x7E, v9;
	_ =	swait.ge [sflag:s26], $0x100  }
0x6c: {  	s21 =	simm.s32 $0x4;
	v9 =	vbroadcast v9, $0x0;
	v11 =	vor.u32 v0, v7;
	[sflag:s26] =	ssyncset.done $0x0  }
0x6d: {  	v13 =	vmov s21;
	v7 =	vor.u32 v1, v7;
	[sflag:s26] =	ssyncadd.s32 $0xFFFFFF00  }
0x6e: {  	v13 =	vand.u32 $0x7C, v13;
	v12 =	vor.u32 v0, v9;
	v8 =	vld.idx.msk [tilespmem:v8+s23+$0x0], $0xffff  }
0x6f: {  	s22 =	simm.s32 $0x5;
	v13 =	vbroadcast v13, $0x0;
	v9 =	vor.u32 v1, v9;
	v10 =	vld.idx.msk [tilespmem:v10+s23+$0x0], $0xffff  }
0x70: {  	s25 =	simm.s32 $0x6;
	v14 =	vmov s22;
	v16 =	vor.u32 s12, v0;
	v6 =	vld.idx.msk [tilespmem:v6+s23+$0x0], $0xffff  }
0x71: {  	v17 =	vmov s25;
	v14 =	vand.u32 $0x7D, v14;
	v18 =	vor.u32 v0, v13;
	s15 =	simm.s32 $0x7;
	v11 =	vld.idx.msk [tilespmem:v11+s23+$0x0], $0xffff  }
0x72: {  	v14 =	vbroadcast v14, $0x0;
	v15 =	vor.u32 s15, v1;
	v19 =	vld.idx.msk [tilespmem:v7+s23+$0x0], $0xffff;
	v7 =	vand.u32 $0x7E, v17  }
0x73: {  	v13 =	vor.u32 v1, v13;
	v12 =	vld.idx.msk [tilespmem:v12+s23+$0x0], $0xffff;
	v7 =	vbroadcast v7, $0x0  }
0x74: {  	s13 =	simm.s32 $0x7040;
	v17 =	vor.u32 v0, v14;
	v20 =	vld.idx.msk [tilespmem:v9+s23+$0x0], $0xffff  }
0x75: {  	s28 =	simm.s32 $0x8;
	v16 =	vld.idx.msk [tilespmem:v16+s23+$0x0], $0xffff;
	v22 =	vor.u32 v1, v7;
	[tilespmem:s13+$0x30] =	vst v8  }
0x76: {  	s11 =	simm.s32 $0xB;
	v9 =	vmov s28;
	v21 =	vld.idx.msk [tilespmem:v18+s23+$0x0], $0xffff;
	v8 =	vor.u32 v1, v14;
	[tilespmem:s13+$0xFFFFFFC0] =	vst v10  }
0x77: {  	s31 =	simm.s32 $0x9;
	s14 =	simm.s32 $0xA;
	v23 =	vor.u32 s11, v1;
	v9 =	vand.u32 $0x7C, v9;
	v14 =	vld.idx.msk [tilespmem:v15+s23+$0x0], $0xffff;
	v15 =	vor.u32 v0, v7;
	[tilespmem:s13+$0xFFFFFFE0] =	vst v11  }
0x78: {  	v10 =	vmov s31;
	v7 =	vld.idx.msk [tilespmem:v13+s23+$0x0], $0xffff;
	[tilespmem:s13+$0xFFFFFFF0] =	vst v19;
	v11 =	vmov s14;
	v13 =	vbroadcast v9, $0x0  }
0x79: {  	v9 =	vld.idx.msk [tilespmem:v17+s23+$0x0], $0xffff;
	[tilespmem:s13+$0x0] =	vst v12;
	v19 =	vor.u32 s15, v0;
	v10 =	vand.u32 $0x7D, v10;
	v12 =	vand.u32 $0x7E, v11  }
0x7a: {  	[tilespmem:s13+$0x10] =	vst v20;
	v24 =	vbroadcast v10, $0x0;
	v17 =	vor.u32 v0, v13;
	v10 =	vor.u32 v1, v13;
	v13 =	vld.idx.msk [tilespmem:v22+s23+$0x0], $0xffff  }
0x7b: {  	s12 =	simm.s32 $0x70C0;
	[tilespmem:s13+$0x20] =	vst v16;
	v18 =	vbroadcast v12, $0x0;
	v11 =	vld.idx.msk [tilespmem:v8+s23+$0x0], $0xffff  }
0x7c: {  	[tilespmem:s12+$0xFFFFFFC0] =	vst v21;
	v12 =	vld.idx.msk [tilespmem:v15+s23+$0x0], $0xffff;
	v15 =	vor.u32 v0, v24  }
0x7d: {  	s14 =	simm.s32 $0x10;
	s15 =	simm.s32 $0xC;
	v16 =	vor.u32 v1, v24;
	[tilespmem:s12+$0x30] =	vst v14;
	v8 =	vor.u32 v0, v18;
	v14 =	vld.idx.msk [tilespmem:v23+s23+$0x0], $0xffff  }
.LBB2_2:
0x7e: {  	v20 =	vmov s15;
	s16 =	sadd.s32 $0x2, s15;
	s14 =	sadd.s32 $0x8, s14;
	v21 =	vld.idx.msk [tilespmem:v19+s23+$0x0], $0xffff;
	[tilespmem:s13+$0xFFFFFFD0] =	vst v6;
	v6 =	vmov v7  }
0x7f: {  	s13 =	sadd.s32 $0x1, s15;
	v22 =	vor.u32 v1, v18;
	v7 =	vand.u32 $0x7C, v20;
	v19 =	vmov s16;
	s16 =	sadd.s32 $0x3, s15;
	p0 =	slt.u32 s14, $0xF8;
	v20 =	vld.idx.msk [tilespmem:v17+s23+$0x0], $0xffff;
	[tilespmem:s12+$0xFFFFFFE0] =	vst v9  }
0x80: {  	v9 =	vmov s13;
	s13 =	smov.u32 s12;
	v23 =	vbroadcast v7, $0x0;
	v24 =	vor.u32 s16, v1;
	v7 =	vld.idx.msk [tilespmem:v10+s23+$0x0], $0xffff;
	[tilespmem:s12+$0xFFFFFFF0] =	vst v11  }
.Ltmp0:
0x81: {  	v10 =	vand.u32 $0x7D, v9;
	v11 =	vand.u32 $0x7E, v19;
	v19 =	vor.u32 s11, v0;
	s11 =	smov.u32 s16;
	v9 =	vld.idx.msk [tilespmem:v15+s23+$0x0], $0xffff;
	[tilespmem:s12+$0x0] =	vst v12;
	(pc) =	sbr.rel @p0 .LBB2_2-.Ltmp0, $4  }
0x82: {  	v25 =	vbroadcast v10, $0x0;
	v18 =	vbroadcast v11, $0x0;
	s12 =	sadd.s32 $0x80, s12;
	v17 =	vor.u32 v0, v23;
	v11 =	vld.idx.msk [tilespmem:v16+s23+$0x0], $0xffff;
	[tilespmem:s13+$0x10] =	vst v13  }
0x83: {  	v10 =	vor.u32 v1, v23;
	v12 =	vld.idx.msk [tilespmem:v8+s23+$0x0], $0xffff;
	[tilespmem:s12+$0x30] =	vst v14  }
0x84: {  	v15 =	vor.u32 v0, v25;
	v8 =	vor.u32 v0, v18;
	v13 =	vld.idx.msk [tilespmem:v22+s23+$0x0], $0xffff;
	[tilespmem:s13+$0x20] =	vst v21  }
0x85: {  	s15 =	sadd.s32 $0x4, s15;
	v16 =	vor.u32 v1, v25;
	v14 =	vld.idx.msk [tilespmem:v24+s23+$0x0], $0xffff;
	[tilespmem:s12+$0xFFFFFFC0] =	vst v20  }
0x86: {  	_ =	sdelay $0x1  }
0x87: {  	[tilespmem:s13+$0xFFFFFFD0] =	vst v6  }
0x88: {  	[tilespmem:s12+$0xFFFFFFE0] =	vst v9  }
0x89: {  	v6 =	vld.idx.msk [tilespmem:v19+s23+$0x0], $0xffff;
	[tilespmem:s12+$0xFFFFFFD0] =	vst v7  }
0x8a: {  	v58 =	vld.idx.msk [tilespmem:v17+s23+$0x0], $0xffff;
	v59 =	vor.u32 v1, v18;
	[tilespmem:s12+$0xFFFFFFF0] =	vst v11  }
0x8b: {  	v60 =	vor.u32 s11, v0;
	v61 =	vld.idx.msk [tilespmem:v15+s23+$0x0], $0xffff;
	[tilespmem:s12+$0x0] =	vst v12  }
0x8c: {  	s31 =	sadd.s32 $0x80, s12;
	v62 =	vld.idx.msk [tilespmem:v16+s23+$0x0], $0xffff;
	[tilespmem:s12+$0x10] =	vst v13  }
0x8d: {  	v8 =	vld.idx.msk [tilespmem:v8+s23+$0x0], $0xffff;
	[tilespmem:s31+$0x30] =	vst v14  }
0x8e: {  	v7 =	vld.idx.msk [tilespmem:v10+s23+$0x0], $0xffff;
	[tilespmem:s12+$0x20] =	vst v6  }
0x8f: {  	v6 =	vld.idx.msk [tilespmem:v59+s23+$0x0], $0xffff;
	[tilespmem:s31+$0xFFFFFFC0] =	vst v58  }
0x90: {  	v63 =	vld.idx.msk [tilespmem:v60+s23+$0x0], $0xffff;
	[tilespmem:s31+$0xFFFFFFE0] =	vst v61  }
0x91: {  	[tilespmem:s31+$0xFFFFFFF0] =	vst v62  }
0x92: {  	[tilespmem:s31+$0x0] =	vst v8  }
0x93: {  	[tilespmem:s31+$0xFFFFFFD0] =	vst v7  }
0x94: {  	[tilespmem:s31+$0x10] =	vst v6  }
0x95: {  	s11 =	simm.s32 $0x0;
	[tilespmem:s31+$0x20] =	vst v63  }
.LBB2_4:
0x96: {  	s12 =	sshll.u32 s11, $0x1  }
0x97: {  	s13 =	sshll.u32 s11, $0x5;
	s12 =	sor.u32 s6, s12  }
0x98: {  	s13 =	sand.u32 $0x60, s13;
	s14 =	sshll.u32 s12, $0xA  }
0x99: {  	s13 =	sadd.s32 s13, s1;
	s14 =	sand.u32 $0xFFFE000, s14  }
0x9a: {  	s13 =	sadd.s32 s14, s13  }
0x9b: {  	s5 =	simm.s32 $0x2000;
	s13 =	sadd.s32 $0x10, s13  }
0x9c: {  	[tilespmem:s5], [sflag:$0x2] =	stream.strided.gather [hbm4b:s13+s0], $0x2000, s24, s0, $0x38;
	[tilespmem:$0x8000] =	vst v63  }
0x9d: {  	_ =	swait.ge [sflag:s29], $0x2000  }
0x9e: {  	p0 =	seq.s32 s11, $0x0;
	[sflag:s29] =	ssyncset.done $0x0  }
0x9f: {  	s13 =	simm.s32 @!p0 $0x3;
	[sflag:s29] =	ssyncadd.s32 $0xFFFFE000  }
0xa0: {  	_ =	swait.ge @!p0 [sflag:s13], $0x1000  }
0xa1: {  	s17 =	simm.s32 $0x140;
	[sflag:s13] =	ssyncset.done @!p0 $0x0  }
0xa2: {  	s18 =	sor.u32 $0x60, s17;
	[sflag:s13] =	ssyncadd.s32 @!p0 $0xFFFFF000  }
0xa3: {  	s19 =	sor.u32 $0x70, s17;
	v6 =	vld [tilespmem:s18+$0x0]  }
0xa4: {  	s14 =	sor.u32 $0x50, s17;
	v8 =	vld [tilespmem:s19+$0x0]  }
0xa5: {  	s15 =	simm.s32 $0x40;
	s13 =	simm.s32 $0x100;
	v9 =	vld [tilespmem:s14+$0x0]  }
0xa6: {  	s20 =	sor.u32 $0x60, s15;
	v10 =	vld [tilespmem:s13+$0x40]  }
0xa7: {  	s17 =	sor.u32 $0x70, s15;
	v11 =	vld [tilespmem:s20+$0x0]  }
0xa8: {  	v12 =	vld [tilespmem:s17+$0x0]  }
0xa9: {  	v22 =	vld [tilespmem:s13+$0xFFFFFF30]  }
0xaa: {  	v23 =	vld [tilespmem:s13+$0xFFFFFFA0]  }
0xab: {  	s16 =	simm.s32 $0xC0;
	s21 =	sshll.u32 s11, $0x6;
	v30 =	vld [tilespmem:s13+$0xFFFFFF10]  }
0xac: {  	v7 =	vmov s21;
	s18 =	sor.u32 $0x60, s16;
	v35 =	vld [tilespmem:s13+$0xFFFFFF90]  }
0xad: {  	s22 =	simm.s32 $0x1C0;
	s25 =	sor.u32 $0x70, s16;
	v0 =	vor.u32 $0x10, v7;
	s16 =	sor.u32 $0x50, s16;
	v13 =	vld [tilespmem:s18+$0x0];
	v14 =	vshll.u32 v6, v2;
	v8 =	vshll.u32 v8, v2  }
0xae: {  	s14 =	sor.u32 $0x50, s22;
	v26 =	vld [tilespmem:s16+$0x0];
	v9 =	vshll.u32 v9, v2;
	v10 =	vshll.u32 v10, v2;
	v11 =	vshll.u32 v11, v2  }
0xaf: {  	v29 =	vld [tilespmem:s14+$0x0];
	v12 =	vshll.u32 v12, v2;
	v22 =	vshll.u32 v22, v2;
	v23 =	vshll.u32 v23, v2  }
0xb0: {  	v40 =	vld [tilespmem:s13+$0x10];
	v30 =	vshll.u32 v30, v2;
	v16 =	vperm.xlane v14, v3;
	v17 =	vperm.xlane v8, v3  }
0xb1: {  	v35 =	vshll.u32 v35, v2;
	v18 =	vperm.xlane v9, v3;
	v20 =	vperm.xlane v10, v3  }
0xb2: {  	v13 =	vshll.u32 v13, v2;
	v25 =	vperm.xlane v11, v3;
	v27 =	vperm.xlane v12, v3  }
0xb3: {  	v37 =	vperm.xlane v22, v3;
	v38 =	vperm.xlane v23, v3;
	v26 =	vshll.u32 v26, v2  }
0xb4: {  	v29 =	vshll.u32 v29, v2;
	v49 =	vperm.xlane v30, v3;
	v28 =	vperm.xlane v13, v3  }
0xb5: {  	v40 =	vshll.u32 v40, v2;
	v48 =	vperm.xlane v26, v3;
	v50 =	vperm.xlane v29, v3  }
0xb6: {  	v14 =	vadd.s32 v14, v16;
	v8 =	vadd.s32 v8, v17;
	v9 =	vadd.s32 v9, v18  }
0xb7: {  	v10 =	vadd.s32 v10, v20;
	v11 =	vadd.s32 v11, v25;
	v12 =	vadd.s32 v12, v27  }
0xb8: {  	v27 =	vperm.xlane v35, v3;
	v22 =	vadd.s32 v22, v37;
	v23 =	vadd.s32 v23, v38  }
0xb9: {  	v30 =	vadd.s32 v30, v49;
	v18 =	vperm.xlane v14, v4;
	v21 =	vperm.xlane v8, v4  }
0xba: {  	v20 =	vperm.xlane v9, v4;
	v24 =	vperm.xlane v10, v4;
	v13 =	vadd.s32 v13, v28  }
0xbb: {  	v28 =	vperm.xlane v40, v3;
	v60 =	vperm.xlane v11, v4;
	v26 =	vadd.s32 v26, v48  }
0xbc: {  	v29 =	vadd.s32 v29, v50;
	v55 =	vperm.xlane v22, v4;
	v48 =	vperm.xlane v13, v4  }
0xbd: {  	v15 =	vld [tilespmem:s25+$0x0];
	v27 =	vadd.s32 v35, v27;
	v35 =	vperm.xlane v23, v4;
	v58 =	vperm.xlane v26, v4  }
0xbe: {  	s31 =	sor.u32 $0x70, s22;
	v17 =	vld [tilespmem:s13+$0xFFFFFF20];
	v14 =	vadd.s32 v18, v14;
	v8 =	vadd.s32 v21, v8;
	v9 =	vadd.s32 v20, v9  }
0xbf: {  	s28 =	sor.u32 $0x60, s22;
	v16 =	vld [tilespmem:s31+$0x0];
	v10 =	vadd.s32 v24, v10;
	v28 =	vadd.s32 v40, v28;
	v14 =	vperm.xlane v14, v5  }
0xc0: {  	v19 =	vld [tilespmem:s28+$0x0];
	v11 =	vadd.s32 v60, v11;
	v8 =	vperm.xlane v8, v5;
	v9 =	vperm.xlane v9, v5  }
0xc1: {  	v18 =	vld [tilespmem:s13+$0xFFFFFFB0];
	v22 =	vadd.s32 v55, v22;
	v10 =	vperm.xlane v10, v5;
	v59 =	vperm.xlane v28, v4  }
0xc2: {  	v20 =	vld [tilespmem:s13+$0x20];
	v13 =	vadd.s32 v48, v13;
	v23 =	vadd.s32 v35, v23;
	v26 =	vadd.s32 v58, v26  }
0xc3: {  	s15 =	sor.u32 $0x50, s15;
	v21 =	vld [tilespmem:s13+$0x30];
	v55 =	vperm.xlane v11, v5;
	v22 =	vperm.xlane v22, v5;
	v17 =	vshll.u32 v17, v2  }
0xc4: {  	v24 =	vld [tilespmem:s15+$0x0];
	v16 =	vshll.u32 v16, v2;
	v13 =	vperm.xlane v13, v5;
	v23 =	vperm.xlane v23, v5  }
0xc5: {  	v26 =	vperm.xlane v26, v5;
	v8 =	vsel vm0, v14, v8;
	v14 =	vshll.u32 v15, v2  }
0xc6: {  	v15 =	vshll.u32 v19, v2;
	v34 =	vperm.xlane v17, v3;
	v36 =	vperm.xlane v16, v3  }
0xc7: {  	v8 =	vsel vm1, v9, v8;
	v31 =	vperm.xlane v14, v3;
	v33 =	vperm.xlane v15, v3  }
0xc8: {  	v19 =	vld [tilespmem:s13+$0xB0];
	v10 =	vsel vm2, v10, v8;
	v18 =	vshll.u32 v18, v2;
	v20 =	vshll.u32 v20, v2  }
0xc9: {  	v21 =	vshll.u32 v21, v2;
	v24 =	vshll.u32 v24, v2;
	v16 =	vadd.s32 v16, v36  }
0xca: {  	v17 =	vadd.s32 v17, v34;
	v39 =	vperm.xlane v18, v3;
	v41 =	vperm.xlane v20, v3  }
0xcb: {  	v9 =	vld [tilespmem:s13+$0xA0];
	[tilespmem:$0x1FFD0] =	vst v0;
	v8 =	vadd.s32 v7, v10;
	v42 =	vperm.xlane v21, v3;
	v46 =	vperm.xlane v24, v3  }
0xcc: {  	v44 =	vld [tilespmem:s13+$0xFFFFFF40];
	v14 =	vadd.s32 v14, v31;
	v15 =	vadd.s32 v15, v33;
	v50 =	vperm.xlane v16, v4  }
0xcd: {  	v47 =	vld [tilespmem:s13+$0xFFFFFF80];
	v54 =	vperm.xlane v17, v4;
	v49 =	vperm.xlane v15, v4;
	v19 =	vshll.u32 v19, v2  }
0xce: {  	v25 =	vld [tilespmem:s13+$0xFFFFFFC0];
	v18 =	vadd.s32 v18, v39;
	v20 =	vadd.s32 v20, v41;
	v21 =	vadd.s32 v21, v42  }
0xcf: {  	v51 =	vld [tilespmem:s13+$0x0];
	v24 =	vadd.s32 v24, v46;
	v17 =	vadd.s32 v54, v17;
	v16 =	vadd.s32 v50, v16  }
0xd0: {  	v53 =	vld [tilespmem:s13+$0xC0];
	v32 =	vshll.u32 v9, v2;
	v45 =	vperm.xlane v19, v3;
	v56 =	vperm.xlane v18, v4  }
0xd1: {  	v61 =	vld [tilespmem:s13+$0x80];
	v9 =	vadd.s32 v0, v10;
	v40 =	vperm.xlane v20, v4;
	v57 =	vperm.xlane v21, v4  }
0xd2: {  	v62 =	vld [tilespmem:s13+$0xFFFFFF00];
	v15 =	vadd.s32 v49, v15;
	v17 =	vperm.xlane v17, v5;
	v16 =	vperm.xlane v16, v5  }
0xd3: {  	v43 =	vperm.xlane v32, v3;
	v44 =	vshll.u32 v44, v2;
	v47 =	vshll.u32 v47, v2  }
0xd4: {  	v25 =	vshll.u32 v25, v2;
	v34 =	vshll.u32 v51, v2;
	v51 =	vperm.xlane v12, v4  }
0xd5: {  	v39 =	vshll.u32 v53, v2;
	v53 =	vperm.xlane v14, v4;
	v15 =	vperm.xlane v15, v5  }
0xd6: {  	v31 =	vshll.u32 v61, v2;
	v36 =	vperm.xlane v44, v3;
	v37 =	vperm.xlane v47, v3  }
0xd7: {  	v33 =	vshll.u32 v62, v2;
	v38 =	vperm.xlane v25, v3;
	v41 =	vperm.xlane v34, v3  }
0xd8: {  	v19 =	vadd.s32 v19, v45;
	v42 =	vperm.xlane v31, v3;
	v63 =	vperm.xlane v33, v3  }
0xd9: {  	v45 =	vperm.xlane v39, v3;
	v18 =	vadd.s32 v56, v18;
	v20 =	vadd.s32 v40, v20  }
0xda: {  	v21 =	vadd.s32 v57, v21;
	v32 =	vadd.s32 v32, v43;
	v62 =	vperm.xlane v19, v4  }
0xdb: {  	v12 =	vadd.s32 v51, v12;
	v14 =	vadd.s32 v53, v14;
	v18 =	vperm.xlane v18, v5  }
0xdc: {  	v20 =	vperm.xlane v20, v5;
	v21 =	vperm.xlane v21, v5;
	v33 =	vadd.s32 v33, v63  }
0xdd: {  	v10 =	vld [tilespmem:s13+$0x90];
	v61 =	vperm.xlane v32, v4;
	v36 =	vadd.s32 v44, v36;
	v63 =	vperm.xlane v24, v4  }
0xde: {  	v37 =	vadd.s32 v47, v37;
	v47 =	vperm.xlane v30, v4;
	v25 =	vadd.s32 v25, v38  }
0xdf: {  	v38 =	vperm.xlane v29, v4;
	v34 =	vadd.s32 v34, v41;
	v41 =	vperm.xlane v27, v4  }
0xe0: {  	v31 =	vadd.s32 v31, v42;
	v39 =	vadd.s32 v39, v45;
	v12 =	vperm.xlane v12, v5  }
0xe1: {  	v14 =	vperm.xlane v14, v5;
	v19 =	vadd.s32 v62, v19;
	v62 =	vperm.xlane v36, v4  }
0xe2: {  	v10 =	vshll.u32 v10, v2;
	v53 =	vperm.xlane v34, v4;
	v54 =	vperm.xlane v31, v4  }
0xe3: {  	v56 =	vperm.xlane v39, v4;
	v52 =	vperm.xlane v10, v3  }
0xe4: {  	v32 =	vadd.s32 v61, v32;
	v61 =	vperm.xlane v33, v4;
	v24 =	vadd.s32 v63, v24  }
0xe5: {  	v63 =	vperm.xlane v37, v4;
	v29 =	vadd.s32 v38, v29;
	v30 =	vadd.s32 v47, v30  }
0xe6: {  	v11 =	vadd.s32 v41, v27;
	v27 =	vadd.s32 v59, v28;
	v19 =	vperm.xlane v19, v5  }
0xe7: {  	v58 =	vld.idx.msk [tilespmem:v8+s30+$0x0], $0xffff;
	v12 =	vsel vm0, v55, v12;
	v59 =	vadd.s32 v62, v36;
	v32 =	vperm.xlane v32, v5  }
0xe8: {  	v24 =	vperm.xlane v24, v5;
	v34 =	vadd.s32 v53, v34;
	v29 =	vperm.xlane v29, v5  }
0xe9: {  	v30 =	vperm.xlane v30, v5;
	v8 =	vperm.xlane v11, v5;
	v31 =	vadd.s32 v54, v31  }
0xea: {  	v11 =	vperm.xlane v27, v5;
	v27 =	vadd.s32 v56, v39;
	v62 =	vsel vm0, v15, v16  }
0xeb: {  	s16 =	simm.s32 $0x4080;
	v16 =	vsel vm0, v23, v18;
	v10 =	vadd.s32 v10, v52;
	v52 =	vperm.xlane v25, v4  }
0xec: {  	[tilespmem:s16+$0xFFFFFFD0] =	vst v58;
	v57 =	vadd.s32 v61, v33;
	v61 =	vsel vm0, v13, v14;
	v18 =	vperm.xlane v59, v5  }
0xed: {  	v33 =	vld.idx.msk [tilespmem:v9+s30+$0x0], $0xffff;
	v14 =	vsel vm0, v20, v21;
	v15 =	vperm.xlane v34, v5;
	v60 =	vperm.xlane v10, v4  }
0xee: {  	v23 =	vperm.xlane v27, v5;
	v9 =	vperm.xlane v57, v5;
	v25 =	vadd.s32 v52, v25  }
0xef: {  	v10 =	vadd.s32 v60, v10;
	v60 =	vadd.s32 v63, v37;
	v63 =	vsel vm0, v17, v22  }
0xf0: {  	v17 =	vsel vm0, v32, v19;
	v19 =	vsel vm1, v24, v12;
	v20 =	vperm.xlane v25, v5  }
0xf1: {  	s17 =	simm.s32 $0x0;
	v22 =	vsel vm1, v26, v61;
	v12 =	vperm.xlane v31, v5;
	v24 =	vsel vm1, v29, v62  }
0xf2: {  	s14 =	sshllo.u32 s11, $0x1;
	s18 =	simm.s32 $0x3C0;
	s15 =	simm.s32 $0x4080;
	v10 =	vperm.xlane v10, v5;
	v13 =	vperm.xlane v60, v5;
	v21 =	vsel vm1, v30, v63;
	[tilespmem:s16+$0x50] =	vst v33  }
.LBB2_5:
0xf3: {  	s13 =	sadd.s32 $0x200, s13;
	v0 =	vld [tilespmem:$0x1FFD0]  }
0xf4: {  	s28 =	sor.u32 $0x70, s18;
	v29 =	vld [tilespmem:s13+$0x40]  }
0xf5: {  	v51 =	vld [tilespmem:s28+$0x0]  }
0xf6: {  	v37 =	vld [tilespmem:s13+$0xFFFFFFA0]  }
0xf7: {  	v44 =	vld [tilespmem:s13+$0xFFFFFF10]  }
0xf8: {  	v8 =	vsel vm1, v8, v16;
	v48 =	vld [tilespmem:s13+$0xFFFFFF90]  }
0xf9: {  	v10 =	vsel vm1, v10, v17;
	v11 =	vsel vm1, v11, v14;
	v14 =	vsel vm2, v18, v19;
	v61 =	vld [tilespmem:s13+$0xFFFFFF80]  }
0xfa: {  	s21 =	sadd.s32 $0xFFFFFF80, s18;
	v22 =	vsel vm2, v20, v22;
	v23 =	vsel vm2, v23, v24;
	v9 =	vsel vm2, v9, v21;
	v1 =	vld [tilespmem:s13+$0x0]  }
0xfb: {  	s25 =	sor.u32 $0x60, s21;
	v8 =	vsel vm2, v13, v8;
	v27 =	vsel vm2, v12, v10;
	v6 =	vld [tilespmem:s13+$0xC0];
	v25 =	vsel vm2, v15, v11  }
0xfc: {  	s31 =	sor.u32 $0x70, s21;
	v24 =	vld [tilespmem:s25+$0x0];
	v21 =	vadd.s32 v7, v14;
	v20 =	vadd.s32 v7, v22;
	v17 =	vadd.s32 v7, v9  }
0xfd: {  	s21 =	sor.u32 $0x50, s21;
	v26 =	vld [tilespmem:s31+$0x0];
	v15 =	vadd.s32 v7, v8;
	v19 =	vadd.s32 v7, v23;
	v16 =	vadd.s32 v7, v27  }
0xfe: {  	s19 =	sadd.s32 $0xFFFFFE80, s18;
	v28 =	vld [tilespmem:s21+$0x0];
	v18 =	vadd.s32 v7, v25;
	v13 =	vadd.s32 v0, v14;
	v10 =	vadd.s32 v0, v9  }
0xff: {  	s20 =	sadd.s32 $0xFFFFFF00, s18;
	s22 =	sor.u32 $0x60, s19;
	v52 =	vld [tilespmem:s13+$0xFFFFFF20];
	v14 =	vadd.s32 v0, v22;
	v12 =	vadd.s32 v0, v23;
	v11 =	vadd.s32 v0, v8  }
0x100: {  	s9 =	sor.u32 $0x60, s20;
	s10 =	sor.u32 $0x70, s20;
	s20 =	sor.u32 $0x50, s20;
	v30 =	vld [tilespmem:s22+$0x0];
	v9 =	vadd.s32 v0, v25;
	v8 =	vadd.s32 v0, v27;
	v29 =	vshll.u32 v29, v2  }
0x101: {  	s31 =	sor.u32 $0x50, s18;
	v40 =	vld [tilespmem:s20+$0x0];
	v37 =	vshll.u32 v37, v2;
	v44 =	vshll.u32 v44, v2;
	v48 =	vshll.u32 v48, v2  }
0x102: {  	v43 =	vld [tilespmem:s31+$0x0];
	v61 =	vshll.u32 v61, v2;
	v1 =	vshll.u32 v1, v2;
	v6 =	vshll.u32 v6, v2  }
0x103: {  	v56 =	vld [tilespmem:s13+$0x20];
	v24 =	vshll.u32 v24, v2;
	v25 =	vshll.u32 v26, v2;
	v27 =	vshll.u32 v28, v2  }
0x104: {  	s5 =	sor.u32 $0x70, s19;
	v55 =	vld [tilespmem:s13+$0xFFFFFFB0];
	v34 =	vperm.xlane v29, v3;
	v28 =	vshll.u32 v51, v2;
	v51 =	vperm.xlane v37, v3  }
0x105: {  	v22 =	vld [tilespmem:s5+$0x0];
	v30 =	vshll.u32 v30, v2;
	v63 =	vperm.xlane v44, v3;
	v50 =	vperm.xlane v24, v3  }
0x106: {  	v23 =	vld [tilespmem:s9+$0x0];
	v40 =	vshll.u32 v40, v2;
	v31 =	vperm.xlane v25, v3;
	v32 =	vperm.xlane v27, v3  }
0x107: {  	v39 =	vperm.xlane v30, v3;
	v49 =	vperm.xlane v28, v3;
	v43 =	vshll.u32 v43, v2  }
0x108: {  	v62 =	vperm.xlane v40, v3;
	v29 =	vadd.s32 v29, v34;
	v34 =	vshll.u32 v56, v2  }
0x109: {  	v37 =	vadd.s32 v37, v51;
	v24 =	vadd.s32 v24, v50;
	v25 =	vadd.s32 v25, v31  }
0x10a: {  	v27 =	vadd.s32 v27, v32;
	v38 =	vperm.xlane v29, v4;
	v22 =	vshll.u32 v22, v2  }
0x10b: {  	v20 =	vld.idx.msk [tilespmem:v20+s30+$0x0], $0xffff;
	v23 =	vshll.u32 v23, v2;
	v31 =	vshll.u32 v52, v2;
	v32 =	vshll.u32 v55, v2  }
0x10c: {  	v57 =	vld [tilespmem:s13+$0x30];
	v30 =	vadd.s32 v30, v39;
	v53 =	vperm.xlane v24, v4;
	v35 =	vperm.xlane v25, v4  }
0x10d: {  	v28 =	vadd.s32 v28, v49;
	v54 =	vperm.xlane v27, v4;
	v41 =	vperm.xlane v22, v3  }
0x10e: {  	v26 =	vld [tilespmem:s10+$0x0];
	v40 =	vadd.s32 v40, v62;
	v42 =	vperm.xlane v23, v3;
	v47 =	vperm.xlane v31, v3  }
0x10f: {  	v56 =	vld [tilespmem:s13+$0x90];
	v52 =	vperm.xlane v32, v3;
	v62 =	vperm.xlane v28, v4;
	v29 =	vadd.s32 v38, v29  }
0x110: {  	v39 =	vld [tilespmem:s13+$0xFFFFFFC0];
	[tilespmem:s15+$0xFFFFFFB0] =	vst v20;
	v20 =	vperm.xlane v37, v4;
	v24 =	vadd.s32 v53, v24;
	v25 =	vadd.s32 v35, v25  }
0x111: {  	v27 =	vadd.s32 v54, v27;
	v29 =	vperm.xlane v29, v5;
	v35 =	vshll.u32 v57, v2  }
0x112: {  	v54 =	vperm.xlane v34, v3;
	v22 =	vadd.s32 v22, v41;
	v41 =	vperm.xlane v48, v3  }
0x113: {  	v36 =	vld [tilespmem:s13+$0xFFFFFF30];
	s21 =	sor.u32 $0x60, s18;
	v23 =	vadd.s32 v23, v42;
	v31 =	vadd.s32 v31, v47;
	v32 =	vadd.s32 v32, v52  }
0x114: {  	v33 =	vld [tilespmem:s21+$0x0];
	v28 =	vadd.s32 v62, v28;
	v24 =	vperm.xlane v24, v5;
	v25 =	vperm.xlane v25, v5  }
0x115: {  	s19 =	sor.u32 $0x50, s19;
	v19 =	vld.idx.msk [tilespmem:v19+s30+$0x0], $0xffff;
	v27 =	vperm.xlane v27, v5;
	v55 =	vperm.xlane v35, v3;
	v42 =	vshll.u32 v56, v2  }
0x116: {  	v59 =	vld [tilespmem:s19+$0x0];
	v20 =	vadd.s32 v20, v37;
	v39 =	vshll.u32 v39, v2;
	v34 =	vadd.s32 v34, v54  }
0x117: {  	v18 =	vld.idx.msk [tilespmem:v18+s30+$0x0], $0xffff;
	v54 =	vperm.xlane v6, v3;
	v41 =	vadd.s32 v48, v41;
	v48 =	vperm.xlane v32, v4  }
0x118: {  	v58 =	vld [tilespmem:s13+$0xB0];
	v20 =	vperm.xlane v20, v5;
	v24 =	vsel vm0, v24, v25;
	v25 =	vshll.u32 v26, v2  }
0x119: {  	v21 =	vld.idx.msk [tilespmem:v21+s30+$0x0], $0xffff;
	v35 =	vadd.s32 v35, v55;
	v49 =	vperm.xlane v39, v3;
	v55 =	vperm.xlane v30, v4  }
0x11a: {  	[tilespmem:s15+$0xFFFFFFF0] =	vst v19;
	v19 =	vperm.xlane v34, v4;
	v24 =	vsel vm1, v27, v24;
	v27 =	vshll.u32 v33, v2  }
0x11b: {  	v16 =	vld.idx.msk [tilespmem:v16+s30+$0x0], $0xffff;
	v33 =	vshll.u32 v36, v2;
	v45 =	vperm.xlane v25, v3;
	v36 =	vshll.u32 v59, v2  }
0x11c: {  	v53 =	vld [tilespmem:s13+$0x10];
	[tilespmem:s15+$0xFFFFFFC0] =	vst v18;
	v6 =	vadd.s32 v6, v54;
	v32 =	vadd.s32 v48, v32;
	v24 =	vsel vm2, v29, v24  }
0x11d: {  	v9 =	vld.idx.msk [tilespmem:v9+s30+$0x0], $0xffff;
	v46 =	vperm.xlane v27, v3;
	v29 =	vshll.u32 v58, v2;
	v50 =	vperm.xlane v33, v3  }
0x11e: {  	v58 =	vld [tilespmem:s13+$0xFFFFFF40];
	[tilespmem:s15+$0xFFFFFF90] =	vst v21;
	v21 =	vperm.xlane v31, v4;
	v39 =	vadd.s32 v39, v49;
	v19 =	vadd.s32 v19, v34  }
0x11f: {  	v26 =	vld [tilespmem:s13+$0xA0];
	v60 =	vadd.s32 v7, v24;
	v24 =	vadd.s32 v0, v24;
	v59 =	vperm.xlane v29, v3  }
0x120: {  	v0 =	vperm.xlane v43, v3;
	v25 =	vadd.s32 v25, v45;
	v45 =	vld [tilespmem:s13+$0x80];
	[tilespmem:s15+$0xFFFFFFE0] =	vst v16;
	v16 =	vperm.xlane v41, v4  }
0x121: {  	v14 =	vld.idx.msk [tilespmem:v14+s30+$0x0], $0xffff;
	v53 =	vshll.u32 v53, v2;
	v54 =	vperm.xlane v39, v4;
	v19 =	vperm.xlane v19, v5  }
0x122: {  	v17 =	vld.idx.msk [tilespmem:v17+s30+$0x0], $0xffff;
	v27 =	vadd.s32 v27, v46;
	v33 =	vadd.s32 v33, v50;
	v50 =	vperm.xlane v1, v3  }
0x123: {  	v15 =	vld.idx.msk [tilespmem:v15+s30+$0x0], $0xffff;
	v21 =	vadd.s32 v21, v31;
	v29 =	vadd.s32 v29, v59;
	v59 =	vperm.xlane v23, v4  }
0x124: {  	v12 =	vld.idx.msk [tilespmem:v12+s30+$0x0], $0xffff;
	v0 =	vadd.s32 v43, v0;
	v43 =	vadd.s32 v44, v63;
	v44 =	vperm.xlane v27, v4  }
0x125: {  	[tilespmem:s15+$0x40] =	vst v9;
	v26 =	vshll.u32 v26, v2;
	v63 =	vperm.xlane v33, v4;
	v9 =	vperm.xlane v21, v5  }
0x126: {  	v30 =	vadd.s32 v55, v30;
	[tilespmem:s15+$0x30] =	vst v14;
	v46 =	vld [tilespmem:s13+$0xFFFFFF00];
	v57 =	vperm.xlane v26, v3;
	v18 =	vperm.xlane v43, v4  }
0x127: {  	[tilespmem:s15+$0xFFFFFF80] =	vst v17;
	v1 =	vadd.s32 v1, v50;
	v56 =	vshll.u32 v58, v2;
	v58 =	vperm.xlane v42, v3  }
0x128: {  	v10 =	vld.idx.msk [tilespmem:v10+s30+$0x0], $0xffff;
	v23 =	vadd.s32 v59, v23;
	v63 =	vadd.s32 v63, v33;
	v14 =	vperm.xlane v1, v4  }
0x129: {  	v38 =	vld.idx.msk [tilespmem:v60+s30+$0x0], $0xffff;
	v60 =	vperm.xlane v36, v3;
	v26 =	vadd.s32 v26, v57;
	v47 =	vperm.xlane v56, v3  }
0x12a: {  	[tilespmem:s15+$0x70] =	vst v12;
	v57 =	vperm.xlane v22, v4;
	v12 =	vadd.s32 v18, v43;
	v18 =	vperm.xlane v30, v5  }
0x12b: {  	v46 =	vshll.u32 v46, v2;
	v42 =	vadd.s32 v42, v58;
	v58 =	vperm.xlane v0, v4  }
0x12c: {  	v8 =	vld.idx.msk [tilespmem:v8+s30+$0x0], $0xffff;
	v52 =	vperm.xlane v46, v3;
	v36 =	vadd.s32 v36, v60;
	v60 =	vperm.xlane v25, v4  }
0x12d: {  	[tilespmem:s15+$0xFFFFFFA0] =	vst v15;
	v15 =	vadd.s32 v56, v47;
	v56 =	vperm.xlane v40, v4;
	v22 =	vadd.s32 v57, v22  }
0x12e: {  	[tilespmem:s15+$0x0] =	vst v10;
	v10 =	vadd.s32 v16, v41;
	v16 =	vperm.xlane v23, v5;
	v57 =	vperm.xlane v63, v5  }
0x12f: {  	v27 =	vadd.s32 v44, v27;
	v63 =	vperm.xlane v12, v5;
	v47 =	vperm.xlane v36, v4  }
0x130: {  	v0 =	vadd.s32 v58, v0;
	v22 =	vperm.xlane v22, v5;
	v58 =	vperm.xlane v32, v5  }
0x131: {  	[tilespmem:s15+$0x60] =	vst v8;
	v8 =	vperm.xlane v10, v5;
	v17 =	vadd.s32 v46, v52;
	v46 =	vperm.xlane v26, v4  }
0x132: {  	s16 =	sadd.s32 $0x100, s16;
	v52 =	vperm.xlane v29, v4;
	v40 =	vadd.s32 v56, v40;
	v56 =	vperm.xlane v6, v4  }
0x133: {  	v25 =	vadd.s32 v60, v25;
	v0 =	vperm.xlane v0, v5;
	[tilespmem:s16+$0xFFFFFFD0] =	vst v38;
	v38 =	vperm.xlane v53, v3  }
0x134: {  	v1 =	vadd.s32 v14, v1;
	v23 =	vperm.xlane v25, v5;
	v25 =	vperm.xlane v27, v5;
	v24 =	vld.idx.msk [tilespmem:v24+s30+$0x0], $0xffff  }
0x135: {  	v11 =	vld.idx.msk [tilespmem:v11+s30+$0x0], $0xffff;
	v36 =	vadd.s32 v47, v36;
	v27 =	vperm.xlane v28, v5;
	v62 =	vperm.xlane v40, v5  }
0x136: {  	v26 =	vadd.s32 v46, v26;
	v29 =	vadd.s32 v52, v29;
	v52 =	vperm.xlane v17, v4  }
0x137: {  	v60 =	vperm.xlane v36, v5;
	v38 =	vadd.s32 v53, v38;
	v53 =	vperm.xlane v35, v4  }
0x138: {  	v13 =	vld.idx.msk [tilespmem:v13+s30+$0x0], $0xffff;
	v6 =	vadd.s32 v56, v6;
	v26 =	vperm.xlane v26, v5;
	v49 =	vperm.xlane v38, v4  }
0x139: {  	v29 =	vperm.xlane v29, v5;
	[tilespmem:s16+$0x50] =	vst v24;
	v24 =	vshll.u32 v45, v2;
	v45 =	vperm.xlane v61, v3  }
0x13a: {  	[tilespmem:s15+$0x20] =	vst v11;
	v17 =	vadd.s32 v52, v17;
	v11 =	vadd.s32 v49, v38;
	v51 =	vperm.xlane v24, v3  }
0x13b: {  	v11 =	vperm.xlane v11, v5;
	v45 =	vadd.s32 v61, v45;
	v61 =	vperm.xlane v42, v4  }
0x13c: {  	v24 =	vadd.s32 v24, v51;
	v51 =	vadd.s32 v53, v35;
	v53 =	vperm.xlane v15, v4  }
0x13d: {  	[tilespmem:s15+$0x10] =	vst v13;
	v13 =	vperm.xlane v45, v4;
	v55 =	vperm.xlane v24, v4;
	v21 =	vadd.s32 v61, v42  }
0x13e: {  	v59 =	vperm.xlane v51, v5;
	v61 =	vadd.s32 v54, v39;
	v15 =	vadd.s32 v53, v15  }
0x13f: {  	s17 =	sadd.s32 $0x8, s17;
	v13 =	vadd.s32 v13, v45;
	v10 =	vperm.xlane v21, v5;
	v21 =	vsel vm0, v18, v22  }
0x140: {  	p1 =	slt.u32 s17, $0x78;
	v22 =	vsel vm0, v16, v23;
	v23 =	vsel vm0, v9, v57;
	v16 =	vsel vm0, v20, v58  }
.Ltmp1:
0x141: {  	v9 =	vperm.xlane v17, v5;
	v17 =	vsel vm0, v26, v29;
	v20 =	vperm.xlane v61, v5;
	(pc) =	sbr.rel @p1 .LBB2_5-.Ltmp1, $4  }
0x142: {  	v12 =	vadd.s32 v55, v24;
	v24 =	vsel vm0, v25, v27;
	v14 =	vsel vm0, v19, v59  }
0x143: {  	v18 =	vperm.xlane v15, v5;
	v19 =	vsel vm1, v60, v21;
	v13 =	vperm.xlane v13, v5  }
0x144: {  	v22 =	vsel vm1, v62, v22;
	v15 =	vperm.xlane v1, v5;
	v21 =	vsel vm1, v63, v23  }
0x145: {  	s18 =	sadd.s32 $0x200, s18;
	s15 =	smov.u32 s16;
	v23 =	vperm.xlane v6, v5;
	v12 =	vperm.xlane v12, v5;
	v24 =	vsel vm1, v0, v24  }
0x146: {  	v0 =	vsel vm2, v18, v19  }
0x147: {  	v1 =	vsel vm2, v20, v22;
	v6 =	vadd.s32 v7, v0  }
0x148: {  	v9 =	vsel vm2, v9, v21;
	v54 =	vadd.s32 v7, v1  }
0x149: {  	v8 =	vsel vm1, v8, v16;
	v60 =	vld [tilespmem:$0x1FFD0];
	v53 =	vsel vm2, v23, v24;
	v56 =	vadd.s32 v7, v9  }
0x14a: {  	v11 =	vsel vm1, v11, v14;
	v8 =	vsel vm2, v13, v8;
	v55 =	vadd.s32 v7, v53  }
0x14b: {  	v10 =	vsel vm1, v10, v17;
	v11 =	vsel vm2, v15, v11;
	v57 =	vadd.s32 v7, v8  }
0x14c: {  	v10 =	vsel vm2, v12, v10;
	v58 =	vadd.s32 v7, v11;
	v6 =	vld.idx.msk [tilespmem:v6+s30+$0x0], $0xffff  }
0x14d: {  	v7 =	vadd.s32 v7, v10;
	v59 =	vld.idx.msk [tilespmem:v54+s30+$0x0], $0xffff  }
0x14e: {  	v0 =	vadd.s32 v60, v0;
	v13 =	vld.idx.msk [tilespmem:v56+s30+$0x0], $0xffff  }
0x14f: {  	v1 =	vadd.s32 v60, v1;
	v16 =	vld.idx.msk [tilespmem:v55+s30+$0x0], $0xffff  }
0x150: {  	v9 =	vadd.s32 v60, v9;
	v14 =	vld.idx.msk [tilespmem:v57+s30+$0x0], $0xffff  }
0x151: {  	v61 =	vadd.s32 v60, v53;
	v12 =	vld.idx.msk [tilespmem:v58+s30+$0x0], $0xffff;
	[tilespmem:s15+$0xFFFFFF90] =	vst v6  }
0x152: {  	v62 =	vadd.s32 v60, v11;
	v7 =	vld.idx.msk [tilespmem:v7+s30+$0x0], $0xffff;
	[tilespmem:s15+$0xFFFFFFB0] =	vst v59  }
0x153: {  	v6 =	vadd.s32 v60, v8;
	[tilespmem:s15+$0xFFFFFF80] =	vst v13;
	v0 =	vld.idx.msk [tilespmem:v0+s30+$0x0], $0xffff  }
0x154: {  	v10 =	vadd.s32 v60, v10;
	[tilespmem:s15+$0xFFFFFFF0] =	vst v16;
	v1 =	vld.idx.msk [tilespmem:v1+s30+$0x0], $0xffff  }
0x155: {  	[tilespmem:s15+$0xFFFFFFA0] =	vst v14;
	v9 =	vld.idx.msk [tilespmem:v9+s30+$0x0], $0xffff  }
0x156: {  	[tilespmem:s15+$0xFFFFFFC0] =	vst v12;
	v63 =	vld.idx.msk [tilespmem:v61+s30+$0x0], $0xffff  }
0x157: {  	[tilespmem:s15+$0xFFFFFFE0] =	vst v7;
	v7 =	vld.idx.msk [tilespmem:v62+s30+$0x0], $0xffff  }
0x158: {  	v6 =	vld.idx.msk [tilespmem:v6+s30+$0x0], $0xffff;
	[tilespmem:s15+$0x10] =	vst v0  }
0x159: {  	v0 =	vld.idx.msk [tilespmem:v10+s30+$0x0], $0xffff;
	[tilespmem:s15+$0x30] =	vst v1  }
0x15a: {  	p1 =	sne.s32 s11, $0x3F;
	[tilespmem:s15+$0x0] =	vst v9  }
.Ltmp2:
0x15b: {  	[tilespmem:s15+$0x70] =	vst v63;
	(pc) =	sbr.rel @p1 .LBB2_8-.Ltmp2, $4  }
0x15c: {  	[tilespmem:s15+$0x40] =	vst v7  }
0x15d: {  	s5 =	sshll.u32 s12, $0x9;
	[tilespmem:s15+$0x20] =	vst v6  }
0x15e: {  	s9 =	simm.s32 $0x4000;
	s12 =	sor.u32 s6, s14;
	s5 =	sadd.s32 s3, s5;
	[tilespmem:s15+$0x60] =	vst v0  }
0x15f: {  	[hbm4b:s5+s4] =	stream.linear.scatter [tilespmem:s9], [sflag:$0x3], $0x1000, $0x38;
	[tilespmem:$0x8000] =	vst v63  }
.Ltmp3:
0x160: {  	(pc) =	sbr.rel .LBB2_9-.Ltmp3, $4  }
0x161: {  	_ = 	snop  }
0x162: {  	_ =	swait.ge [sflag:s2], $0x2000  }
0x163: {  	[sflag:s2] =	ssyncset.done $0x0  }
0x164: {  	[sflag:s2] =	ssyncadd.s32 $0xFFFFE000  }
.LBB2_8:
0x165: {  	s5 =	sadd.s32 $0x1, s12  }
0x166: {  	s9 =	sshll.u32 s5, $0x4  }
0x167: {  	s5 =	sshll.u32 s5, $0xA;
	s9 =	sand.u32 $0x60, s9  }
0x168: {  	s5 =	sand.u32 $0xFFFE000, s5;
	s9 =	sadd.s32 s1, s9  }
.Ltmp4:
0x169: {  	s5 =	sadd.s32 s5, s9;
	(pc) =	sbr.rel @p0 .LBB2_10-.Ltmp4, $4  }
0x16a: {  	[tilespmem:s4], [sflag:$0x1] =	stream.strided.gather [hbm4b:s5+s0], $0x2000, s24, s0, $0x38;
	[tilespmem:$0x8000] =	vst v63  }
0x16b: {  	_ =	swait.ge [sflag:s2], $0x2000  }
0x16c: {  	[sflag:s2] =	ssyncset.done $0x0  }
0x16d: {  	[sflag:s2] =	ssyncadd.s32 $0xFFFFE000  }
.LBB2_9:
0x16e: {  	_ =	swait.ge [sflag:s7], $0x1000  }
0x16f: {  	[sflag:s7] =	ssyncset.done $0x0  }
0x170: {  	[sflag:s7] =	ssyncadd.s32 $0xFFFFF000  }
.LBB2_10:
0x171: {  	s13 =	simm.s32 $0x2100  }
0x172: {  	v8 =	vld [tilespmem:s13+$0x40]  }
0x173: {  	v20 =	vld [tilespmem:s13+$0xFFFFFF30]  }
0x174: {  	v28 =	vld [tilespmem:s13+$0xFFFFFF10]  }
0x175: {  	s5 =	simm.s32 $0x140;
	v33 =	vld [tilespmem:s13+$0xFFFFFF90]  }
0x176: {  	s9 =	sor.u32 $0x60, s5;
	v38 =	vld [tilespmem:s13+$0x10]  }
0x177: {  	s17 =	sor.u32 $0x70, s5;
	v0 =	vld [tilespmem:s9+$0x2000]  }
0x178: {  	s18 =	simm.s32 $0x40;
	s5 =	sor.u32 $0x50, s5;
	v1 =	vld [tilespmem:s17+$0x2000]  }
0x179: {  	s19 =	sor.u32 $0x60, s18;
	v6 =	vld [tilespmem:s5+$0x2000]  }
0x17a: {  	s10 =	simm.s32 $0xC0;
	s15 =	sor.u32 $0x70, s18;
	v9 =	vld [tilespmem:s19+$0x2000]  }
0x17b: {  	s20 =	sshll.u32 s14, $0x5;
	s21 =	sor.u32 $0x60, s10;
	v10 =	vld [tilespmem:s15+$0x2000]  }
0x17c: {  	s22 =	simm.s32 $0x1C0;
	v7 =	vmov s20;
	s25 =	sor.u32 $0x70, s10;
	s10 =	sor.u32 $0x50, s10;
	v11 =	vld [tilespmem:s21+$0x2000];
	v8 =	vshll.u32 v8, v2;
	v20 =	vshll.u32 v20, v2  }
0x17d: {  	s5 =	sor.u32 $0x50, s22;
	v24 =	vld [tilespmem:s10+$0x2000];
	v28 =	vshll.u32 v28, v2;
	v33 =	vshll.u32 v33, v2;
	v38 =	vshll.u32 v38, v2  }
0x17e: {  	v27 =	vld [tilespmem:s5+$0x2000];
	v0 =	vshll.u32 v0, v2;
	v1 =	vshll.u32 v1, v2;
	v13 =	vshll.u32 v6, v2  }
0x17f: {  	v6 =	vor.u32 $0x10, v7;
	v18 =	vperm.xlane v8, v3;
	v21 =	vshll.u32 v9, v2  }
0x180: {  	v10 =	vshll.u32 v10, v2;
	v35 =	vperm.xlane v20, v3;
	v47 =	vperm.xlane v28, v3  }
0x181: {  	v11 =	vshll.u32 v11, v2;
	v14 =	vperm.xlane v0, v3;
	v15 =	vperm.xlane v1, v3  }
0x182: {  	v24 =	vshll.u32 v24, v2;
	v16 =	vperm.xlane v13, v3;
	v23 =	vperm.xlane v21, v3  }
0x183: {  	v25 =	vperm.xlane v10, v3;
	v26 =	vperm.xlane v11, v3;
	v27 =	vshll.u32 v27, v2  }
0x184: {  	v46 =	vperm.xlane v24, v3;
	v8 =	vadd.s32 v8, v18;
	v48 =	vperm.xlane v27, v3  }
0x185: {  	v20 =	vadd.s32 v20, v35;
	v28 =	vadd.s32 v28, v47;
	v0 =	vadd.s32 v0, v14  }
0x186: {  	v1 =	vadd.s32 v1, v15;
	v22 =	vperm.xlane v8, v4;
	v10 =	vadd.s32 v10, v25  }
0x187: {  	v25 =	vperm.xlane v33, v3;
	v11 =	vadd.s32 v11, v26;
	v26 =	vperm.xlane v38, v3  }
0x188: {  	v13 =	vadd.s32 v13, v16;
	v53 =	vperm.xlane v20, v4;
	v16 =	vperm.xlane v0, v4  }
0x189: {  	v21 =	vadd.s32 v21, v23;
	v19 =	vperm.xlane v1, v4;
	v9 =	vperm.xlane v13, v4  }
0x18a: {  	v12 =	vld [tilespmem:s25+$0x2000];
	v24 =	vadd.s32 v24, v46;
	v63 =	vperm.xlane v21, v4;
	v46 =	vperm.xlane v11, v4  }
0x18b: {  	v18 =	vld [tilespmem:s13+$0xFFFFFFA0];
	v27 =	vadd.s32 v27, v48;
	v56 =	vperm.xlane v24, v4;
	v8 =	vadd.s32 v22, v8  }
0x18c: {  	s31 =	sor.u32 $0x70, s22;
	v15 =	vld [tilespmem:s13+$0xFFFFFF20];
	v25 =	vadd.s32 v33, v25;
	v26 =	vadd.s32 v38, v26;
	v20 =	vadd.s32 v53, v20  }
0x18d: {  	s28 =	sor.u32 $0x60, s22;
	v14 =	vld [tilespmem:s31+$0x2000];
	v0 =	vadd.s32 v16, v0;
	v1 =	vadd.s32 v19, v1;
	v9 =	vadd.s32 v9, v13  }
0x18e: {  	v17 =	vld [tilespmem:s28+$0x2000];
	s9 =	sor.u32 $0x50, s18;
	v8 =	vperm.xlane v8, v5;
	v21 =	vadd.s32 v63, v21;
	v11 =	vadd.s32 v46, v11  }
0x18f: {  	v22 =	vld [tilespmem:s9+$0x2000];
	v24 =	vadd.s32 v56, v24;
	v20 =	vperm.xlane v20, v5;
	v0 =	vperm.xlane v0, v5  }
0x190: {  	v16 =	vld [tilespmem:s13+$0xFFFFFFB0];
	v1 =	vperm.xlane v1, v5;
	v9 =	vperm.xlane v9, v5;
	v18 =	vshll.u32 v18, v2  }
0x191: {  	v13 =	vld [tilespmem:s13+$0x20];
	v21 =	vperm.xlane v21, v5;
	v24 =	vperm.xlane v24, v5;
	v15 =	vshll.u32 v15, v2  }
0x192: {  	v19 =	vld [tilespmem:s13+$0x30];
	v14 =	vshll.u32 v14, v2;
	v36 =	vperm.xlane v18, v3;
	v0 =	vsel vm0, v0, v1  }
0x193: {  	v1 =	vshll.u32 v12, v2;
	v12 =	vshll.u32 v17, v2;
	v32 =	vperm.xlane v15, v3  }
0x194: {  	v34 =	vperm.xlane v14, v3;
	v0 =	vsel vm1, v9, v0;
	v29 =	vperm.xlane v1, v3  }
0x195: {  	v31 =	vperm.xlane v12, v3;
	v22 =	vshll.u32 v22, v2;
	v18 =	vadd.s32 v18, v36  }
0x196: {  	v0 =	vsel vm2, v8, v0;
	v16 =	vshll.u32 v16, v2;
	v13 =	vshll.u32 v13, v2  }
0x197: {  	v17 =	vld [tilespmem:s13+$0xB0];
	v19 =	vshll.u32 v19, v2;
	v44 =	vperm.xlane v22, v3;
	v14 =	vadd.s32 v14, v34  }
0x198: {  	v15 =	vadd.s32 v15, v32;
	v33 =	vperm.xlane v18, v4;
	v37 =	vperm.xlane v16, v3  }
0x199: {  	v8 =	vadd.s32 v7, v0;
	v39 =	vperm.xlane v13, v3;
	v40 =	vperm.xlane v19, v3  }
0x19a: {  	v9 =	vld [tilespmem:s13+$0xA0];
	[tilespmem:$0x1FFC0] =	vst v6;
	v1 =	vadd.s32 v1, v29;
	v12 =	vadd.s32 v12, v31;
	v48 =	vperm.xlane v14, v4  }
0x19b: {  	v42 =	vld [tilespmem:s13+$0xFFFFFF40];
	v52 =	vperm.xlane v15, v4;
	v22 =	vadd.s32 v22, v44;
	v47 =	vperm.xlane v12, v4  }
0x19c: {  	v45 =	vld [tilespmem:s13+$0xFFFFFF80];
	v18 =	vadd.s32 v33, v18;
	v17 =	vshll.u32 v17, v2;
	v16 =	vadd.s32 v16, v37  }
0x19d: {  	v49 =	vld [tilespmem:s13+$0x0];
	v13 =	vadd.s32 v13, v39;
	v19 =	vadd.s32 v19, v40;
	v15 =	vadd.s32 v52, v15  }
0x19e: {  	v51 =	vld [tilespmem:s13+$0xC0];
	v14 =	vadd.s32 v48, v14;
	v18 =	vperm.xlane v18, v5;
	v43 =	vperm.xlane v17, v3  }
0x19f: {  	v23 =	vld [tilespmem:s13+$0xFFFFFFC0];
	v30 =	vshll.u32 v9, v2;
	v54 =	vperm.xlane v16, v4;
	v38 =	vperm.xlane v13, v4  }
0x1a0: {  	v57 =	vld [tilespmem:s13+$0x80];
	v9 =	vadd.s32 v6, v0;
	v55 =	vperm.xlane v19, v4;
	v15 =	vperm.xlane v15, v5  }
0x1a1: {  	v58 =	vld [tilespmem:s13+$0xFFFFFF00];
	v12 =	vadd.s32 v47, v12;
	v14 =	vperm.xlane v14, v5;
	v41 =	vperm.xlane v30, v3  }
0x1a2: {  	v42 =	vshll.u32 v42, v2;
	v45 =	vshll.u32 v45, v2;
	v32 =	vshll.u32 v49, v2  }
0x1a3: {  	v37 =	vshll.u32 v51, v2;
	v49 =	vperm.xlane v10, v4;
	v51 =	vperm.xlane v1, v4  }
0x1a4: {  	v23 =	vshll.u32 v23, v2;
	v12 =	vperm.xlane v12, v5;
	v59 =	vperm.xlane v42, v3  }
0x1a5: {  	v29 =	vshll.u32 v57, v2;
	v35 =	vperm.xlane v45, v3;
	v60 =	vperm.xlane v23, v3  }
0x1a6: {  	v31 =	vshll.u32 v58, v2;
	v61 =	vperm.xlane v32, v3;
	v40 =	vperm.xlane v29, v3  }
0x1a7: {  	v17 =	vadd.s32 v17, v43;
	v62 =	vperm.xlane v31, v3;
	v43 =	vperm.xlane v37, v3  }
0x1a8: {  	v16 =	vadd.s32 v54, v16;
	v13 =	vadd.s32 v38, v13;
	v19 =	vadd.s32 v55, v19  }
0x1a9: {  	v30 =	vadd.s32 v30, v41;
	v10 =	vadd.s32 v49, v10;
	v16 =	vperm.xlane v16, v5  }
0x1aa: {  	v1 =	vadd.s32 v51, v1;
	v13 =	vperm.xlane v13, v5;
	v19 =	vperm.xlane v19, v5  }
0x1ab: {  	v31 =	vadd.s32 v31, v62;
	v41 =	vperm.xlane v30, v4;
	v34 =	vadd.s32 v42, v59  }
0x1ac: {  	v0 =	vld [tilespmem:s13+$0x90];
	v42 =	vperm.xlane v22, v4;
	v59 =	vperm.xlane v28, v4;
	v23 =	vadd.s32 v23, v60  }
0x1ad: {  	v60 =	vperm.xlane v27, v4;
	v32 =	vadd.s32 v32, v61;
	v61 =	vperm.xlane v25, v4  }
0x1ae: {  	v35 =	vadd.s32 v45, v35;
	v62 =	vperm.xlane v26, v4;
	v1 =	vperm.xlane v1, v5  }
0x1af: {  	v29 =	vadd.s32 v29, v40;
	v52 =	vperm.xlane v31, v4;
	v53 =	vperm.xlane v34, v4  }
0x1b0: {  	v37 =	vadd.s32 v37, v43;
	v54 =	vperm.xlane v35, v4;
	v55 =	vperm.xlane v23, v4  }
0x1b1: {  	v0 =	vshll.u32 v0, v2;
	v56 =	vperm.xlane v32, v4;
	v57 =	vperm.xlane v29, v4  }
0x1b2: {  	v58 =	vperm.xlane v37, v4;
	v16 =	vsel vm0, v18, v16;
	v50 =	vperm.xlane v0, v3  }
0x1b3: {  	v30 =	vadd.s32 v41, v30;
	v22 =	vadd.s32 v42, v22;
	v27 =	vadd.s32 v60, v27  }
0x1b4: {  	v28 =	vadd.s32 v59, v28;
	v59 =	vperm.xlane v10, v5;
	v10 =	vadd.s32 v61, v25  }
0x1b5: {  	v25 =	vperm.xlane v11, v5;
	v11 =	vadd.s32 v62, v26;
	v26 =	vadd.s32 v52, v31  }
0x1b6: {  	v60 =	vld.idx.msk [tilespmem:v8+s30+$0x0], $0xffff;
	v61 =	vadd.s32 v53, v34;
	v62 =	vadd.s32 v54, v35;
	v30 =	vperm.xlane v30, v5  }
0x1b7: {  	v22 =	vperm.xlane v22, v5;
	v23 =	vadd.s32 v55, v23;
	v27 =	vperm.xlane v27, v5  }
0x1b8: {  	v32 =	vadd.s32 v56, v32;
	v28 =	vperm.xlane v28, v5;
	v8 =	vperm.xlane v10, v5  }
0x1b9: {  	v29 =	vadd.s32 v57, v29;
	v11 =	vperm.xlane v11, v5;
	v0 =	vadd.s32 v0, v50  }
0x1ba: {  	s15 =	simm.s32 $0x5080;
	v50 =	vperm.xlane v17, v4;
	v21 =	vsel vm0, v21, v59;
	v1 =	vsel vm0, v25, v1  }
0x1bb: {  	v25 =	vsel vm0, v12, v14;
	v18 =	vperm.xlane v61, v5;
	v63 =	vperm.xlane v0, v4;
	[tilespmem:s15+$0xFFFFFFD0] =	vst v60  }
0x1bc: {  	v14 =	vperm.xlane v32, v5;
	v12 =	vperm.xlane v29, v5;
	v17 =	vadd.s32 v50, v17;
	v31 =	vld.idx.msk [tilespmem:v9+s30+$0x0], $0xffff  }
0x1bd: {  	v0 =	vadd.s32 v63, v0;
	v17 =	vperm.xlane v17, v5;
	v63 =	vsel vm0, v15, v20  }
0x1be: {  	v15 =	vsel vm0, v13, v19;
	v19 =	vsel vm1, v22, v21;
	v13 =	vperm.xlane v62, v5  }
0x1bf: {  	v20 =	vperm.xlane v23, v5;
	v22 =	vsel vm1, v24, v1;
	v24 =	vsel vm1, v27, v25  }
0x1c0: {  	v10 =	vperm.xlane v0, v5;
	v0 =	vadd.s32 v58, v37;
	v9 =	vperm.xlane v26, v5  }
0x1c1: {  	s16 =	simm.s32 $0x0;
	s14 =	simm.s32 $0x5080;
	s17 =	simm.s32 $0x3C0;
	v21 =	vsel vm1, v28, v63;
	v17 =	vsel vm0, v30, v17;
	v23 =	vperm.xlane v0, v5;
	[tilespmem:s15+$0x50] =	vst v31  }
.LBB2_11:
0x1c2: {  	s13 =	sadd.s32 $0x200, s13;
	v6 =	vld [tilespmem:$0x1FFC0]  }
0x1c3: {  	v26 =	vld [tilespmem:s13+$0x40]  }
0x1c4: {  	v51 =	vld [tilespmem:s13+$0xFFFFFF20]  }
0x1c5: {  	v0 =	vsel vm1, v8, v16;
	v35 =	vld [tilespmem:s13+$0xFFFFFFA0]  }
0x1c6: {  	v8 =	vsel vm1, v10, v17;
	v1 =	vsel vm1, v11, v15;
	v10 =	vsel vm2, v18, v19;
	v42 =	vld [tilespmem:s13+$0xFFFFFF10]  }
0x1c7: {  	s10 =	sadd.s32 $0xFFFFFF80, s17;
	v11 =	vsel vm2, v20, v22;
	v22 =	vsel vm2, v23, v24;
	v9 =	vsel vm2, v9, v21;
	v46 =	vld [tilespmem:s13+$0xFFFFFF90]  }
0x1c8: {  	s18 =	sor.u32 $0x60, s10;
	v0 =	vsel vm2, v13, v0;
	v8 =	vsel vm2, v12, v8;
	v59 =	vld [tilespmem:s13+$0xFFFFFF80];
	v1 =	vsel vm2, v14, v1  }
0x1c9: {  	s31 =	sor.u32 $0x70, s10;
	v23 =	vld [tilespmem:s18+$0x2000];
	v21 =	vadd.s32 v7, v10;
	v20 =	vadd.s32 v7, v11;
	v17 =	vadd.s32 v7, v9  }
0x1ca: {  	s5 =	sadd.s32 $0xFFFFFE80, s17;
	s10 =	sor.u32 $0x50, s10;
	v24 =	vld [tilespmem:s31+$0x2000];
	v15 =	vadd.s32 v7, v0;
	v19 =	vadd.s32 v7, v22;
	v16 =	vadd.s32 v7, v8  }
0x1cb: {  	s9 =	sadd.s32 $0xFFFFFF00, s17;
	s21 =	sor.u32 $0x60, s5;
	v25 =	vld [tilespmem:s10+$0x2000];
	v18 =	vadd.s32 v7, v1;
	v13 =	vadd.s32 v6, v10;
	v10 =	vadd.s32 v6, v9  }
0x1cc: {  	s19 =	sor.u32 $0x50, s9;
	v27 =	vld [tilespmem:s21+$0x2000];
	v14 =	vadd.s32 v6, v11;
	v12 =	vadd.s32 v6, v22;
	v11 =	vadd.s32 v6, v0  }
0x1cd: {  	s25 =	sor.u32 $0x60, s9;
	s28 =	sor.u32 $0x70, s9;
	s9 =	sor.u32 $0x50, s17;
	v38 =	vld [tilespmem:s19+$0x2000];
	v9 =	vadd.s32 v6, v1;
	v8 =	vadd.s32 v6, v8;
	v26 =	vshll.u32 v26, v2  }
0x1ce: {  	v41 =	vld [tilespmem:s9+$0x2000];
	v35 =	vshll.u32 v35, v2;
	v42 =	vshll.u32 v42, v2;
	v46 =	vshll.u32 v46, v2  }
0x1cf: {  	v55 =	vld [tilespmem:s13+$0x20];
	v59 =	vshll.u32 v59, v2;
	v1 =	vshll.u32 v23, v2;
	v23 =	vshll.u32 v24, v2  }
0x1d0: {  	s22 =	sor.u32 $0x70, s5;
	v54 =	vld [tilespmem:s13+$0xFFFFFFB0];
	v25 =	vshll.u32 v25, v2;
	v32 =	vperm.xlane v26, v3;
	v49 =	vperm.xlane v35, v3  }
0x1d1: {  	v22 =	vld [tilespmem:s22+$0x2000];
	v27 =	vshll.u32 v27, v2;
	v61 =	vperm.xlane v42, v3;
	v28 =	vperm.xlane v1, v3  }
0x1d2: {  	s31 =	sor.u32 $0x70, s17;
	v0 =	vld [tilespmem:s25+$0x2000];
	v38 =	vshll.u32 v38, v2;
	v29 =	vperm.xlane v23, v3;
	v30 =	vperm.xlane v25, v3  }
0x1d3: {  	v50 =	vld [tilespmem:s31+$0x2000];
	v41 =	vshll.u32 v41, v2;
	v37 =	vperm.xlane v27, v3;
	v60 =	vperm.xlane v38, v3  }
0x1d4: {  	v62 =	vperm.xlane v41, v3;
	v26 =	vadd.s32 v26, v32;
	v32 =	vshll.u32 v55, v2  }
0x1d5: {  	v35 =	vadd.s32 v35, v49;
	v42 =	vadd.s32 v42, v61;
	v1 =	vadd.s32 v1, v28  }
0x1d6: {  	v23 =	vadd.s32 v23, v29;
	v25 =	vadd.s32 v25, v30;
	v36 =	vperm.xlane v26, v4  }
0x1d7: {  	v20 =	vld.idx.msk [tilespmem:v20+s30+$0x0], $0xffff;
	v22 =	vshll.u32 v22, v2;
	v0 =	vshll.u32 v0, v2;
	v29 =	vshll.u32 v51, v2  }
0x1d8: {  	v56 =	vld [tilespmem:s13+$0x30];
	v28 =	vshll.u32 v50, v2;
	v30 =	vshll.u32 v54, v2;
	v52 =	vperm.xlane v1, v4  }
0x1d9: {  	v63 =	vld [tilespmem:s13+$0x0];
	v27 =	vadd.s32 v27, v37;
	v33 =	vperm.xlane v23, v4;
	v53 =	vperm.xlane v25, v4  }
0x1da: {  	v24 =	vld [tilespmem:s28+$0x2000];
	v38 =	vadd.s32 v38, v60;
	v39 =	vperm.xlane v22, v3;
	v40 =	vperm.xlane v0, v3  }
0x1db: {  	v18 =	vld.idx.msk [tilespmem:v18+s30+$0x0], $0xffff;
	v41 =	vadd.s32 v41, v62;
	v45 =	vperm.xlane v29, v3;
	v47 =	vperm.xlane v28, v3  }
0x1dc: {  	v37 =	vld [tilespmem:s13+$0xFFFFFFC0];
	v50 =	vperm.xlane v30, v3;
	v26 =	vadd.s32 v36, v26;
	[tilespmem:s14+$0xFFFFFFB0] =	vst v20;
	v20 =	vperm.xlane v35, v4  }
0x1dd: {  	v21 =	vld.idx.msk [tilespmem:v21+s30+$0x0], $0xffff;
	v1 =	vadd.s32 v52, v1;
	v23 =	vadd.s32 v33, v23;
	v25 =	vadd.s32 v53, v25  }
0x1de: {  	v51 =	vld [tilespmem:s13+$0x10];
	v26 =	vperm.xlane v26, v5;
	v33 =	vshll.u32 v56, v2;
	v52 =	vperm.xlane v32, v3  }
0x1df: {  	v54 =	vld [tilespmem:s13+$0x90];
	v22 =	vadd.s32 v22, v39;
	v39 =	vperm.xlane v46, v3;
	v0 =	vadd.s32 v0, v40  }
0x1e0: {  	v29 =	vadd.s32 v29, v45;
	[tilespmem:s14+$0xFFFFFFC0] =	vst v18;
	v18 =	vperm.xlane v42, v4;
	v1 =	vperm.xlane v1, v5  }
0x1e1: {  	s20 =	sor.u32 $0x50, s5;
	v34 =	vld [tilespmem:s13+$0xFFFFFF30];
	v45 =	vshll.u32 v63, v2;
	v23 =	vperm.xlane v23, v5;
	v25 =	vperm.xlane v25, v5  }
0x1e2: {  	v57 =	vld [tilespmem:s20+$0x2000];
	v28 =	vadd.s32 v28, v47;
	v53 =	vperm.xlane v33, v3;
	v49 =	vperm.xlane v45, v3  }
0x1e3: {  	s18 =	sor.u32 $0x60, s17;
	v56 =	vld [tilespmem:s13+$0xFFFFFF40];
	v30 =	vadd.s32 v30, v50;
	[tilespmem:s14+$0xFFFFFF90] =	vst v21;
	v62 =	vperm.xlane v28, v4;
	v21 =	vperm.xlane v29, v4  }
0x1e4: {  	v31 =	vld [tilespmem:s18+$0x2000];
	v20 =	vadd.s32 v20, v35;
	v51 =	vshll.u32 v51, v2;
	v40 =	vshll.u32 v54, v2  }
0x1e5: {  	v19 =	vld.idx.msk [tilespmem:v19+s30+$0x0], $0xffff;
	v37 =	vshll.u32 v37, v2;
	v32 =	vadd.s32 v32, v52;
	v39 =	vadd.s32 v46, v39  }
0x1e6: {  	v14 =	vld.idx.msk [tilespmem:v14+s30+$0x0], $0xffff;
	v46 =	vperm.xlane v30, v4;
	v20 =	vperm.xlane v20, v5;
	v1 =	vsel vm0, v1, v23  }
0x1e7: {  	v15 =	vld.idx.msk [tilespmem:v15+s30+$0x0], $0xffff;
	v23 =	vshll.u32 v24, v2;
	v33 =	vadd.s32 v33, v53;
	v45 =	vadd.s32 v45, v49  }
0x1e8: {  	v16 =	vld.idx.msk [tilespmem:v16+s30+$0x0], $0xffff;
	v21 =	vadd.s32 v21, v29;
	v28 =	vadd.s32 v62, v28;
	v1 =	vsel vm1, v25, v1  }
0x1e9: {  	v9 =	vld.idx.msk [tilespmem:v9+s30+$0x0], $0xffff;
	v25 =	vshll.u32 v31, v2;
	v31 =	vshll.u32 v34, v2;
	v43 =	vperm.xlane v23, v3  }
0x1ea: {  	v24 =	vld [tilespmem:s13+$0xA0];
	v34 =	vshll.u32 v57, v2;
	v1 =	vsel vm2, v26, v1;
	v44 =	vperm.xlane v25, v3  }
0x1eb: {  	v26 =	vld [tilespmem:s13+$0xB0];
	v48 =	vperm.xlane v31, v3;
	v54 =	vshll.u32 v56, v2;
	v56 =	vperm.xlane v40, v3;
	[tilespmem:s14+$0x30] =	vst v14  }
0x1ec: {  	v14 =	vperm.xlane v45, v4;
	v58 =	vadd.s32 v7, v1;
	v1 =	vadd.s32 v6, v1;
	v6 =	vld [tilespmem:s13+$0xC0];
	[tilespmem:s14+$0xFFFFFFF0] =	vst v19  }
0x1ed: {  	v23 =	vadd.s32 v23, v43;
	v43 =	vld [tilespmem:s13+$0x80];
	v47 =	vperm.xlane v54, v3;
	v19 =	vperm.xlane v32, v4;
	[tilespmem:s14+$0xFFFFFFE0] =	vst v16  }
0x1ee: {  	v30 =	vadd.s32 v46, v30;
	v16 =	vperm.xlane v39, v4;
	[tilespmem:s14+$0x40] =	vst v9;
	v9 =	vperm.xlane v21, v5  }
0x1ef: {  	v17 =	vld.idx.msk [tilespmem:v17+s30+$0x0], $0xffff;
	v25 =	vadd.s32 v25, v44;
	v31 =	vadd.s32 v31, v48;
	v48 =	vperm.xlane v37, v3  }
0x1f0: {  	v60 =	vperm.xlane v23, v4;
	v40 =	vadd.s32 v40, v56;
	v56 =	vperm.xlane v41, v4  }
0x1f1: {  	v14 =	vadd.s32 v14, v45;
	v24 =	vshll.u32 v24, v2;
	v61 =	vperm.xlane v25, v4  }
0x1f2: {  	[tilespmem:s14+$0xFFFFFFA0] =	vst v15;
	v63 =	vperm.xlane v31, v4;
	v15 =	vadd.s32 v54, v47;
	v54 =	vperm.xlane v38, v4  }
0x1f3: {  	v19 =	vadd.s32 v19, v32;
	v14 =	vperm.xlane v14, v5;
	v55 =	vperm.xlane v24, v3  }
0x1f4: {  	v44 =	vld [tilespmem:s13+$0xFFFFFF00];
	[tilespmem:s14+$0xFFFFFF80] =	vst v17;
	v37 =	vadd.s32 v37, v48;
	v23 =	vadd.s32 v60, v23;
	v41 =	vadd.s32 v56, v41  }
0x1f5: {  	v12 =	vld.idx.msk [tilespmem:v12+s30+$0x0], $0xffff;
	v19 =	vperm.xlane v19, v5;
	v26 =	vshll.u32 v26, v2;
	v25 =	vadd.s32 v61, v25  }
0x1f6: {  	v10 =	vld.idx.msk [tilespmem:v10+s30+$0x0], $0xffff;
	v63 =	vadd.s32 v63, v31;
	v38 =	vadd.s32 v54, v38;
	v62 =	vperm.xlane v41, v5  }
0x1f7: {  	v36 =	vld.idx.msk [tilespmem:v58+s30+$0x0], $0xffff;
	v57 =	vperm.xlane v26, v3;
	v58 =	vperm.xlane v34, v3;
	v24 =	vadd.s32 v24, v55  }
0x1f8: {  	v6 =	vshll.u32 v6, v2;
	v55 =	vperm.xlane v27, v4;
	v56 =	vperm.xlane v63, v5  }
0x1f9: {  	v8 =	vld.idx.msk [tilespmem:v8+s30+$0x0], $0xffff;
	v61 =	vperm.xlane v38, v5;
	v44 =	vshll.u32 v44, v2;
	v53 =	vperm.xlane v6, v3  }
0x1fa: {  	[tilespmem:s14+$0x70] =	vst v12;
	v12 =	vadd.s32 v18, v42;
	v26 =	vadd.s32 v26, v57;
	v52 =	vperm.xlane v44, v3  }
0x1fb: {  	v34 =	vadd.s32 v34, v58;
	v57 =	vperm.xlane v22, v4;
	v58 =	vperm.xlane v0, v4  }
0x1fc: {  	[tilespmem:s14+$0x0] =	vst v10;
	v10 =	vadd.s32 v16, v39;
	v16 =	vperm.xlane v23, v5;
	v23 =	vperm.xlane v25, v5  }
0x1fd: {  	v27 =	vadd.s32 v55, v27;
	v25 =	vperm.xlane v28, v5;
	v63 =	vperm.xlane v12, v5  }
0x1fe: {  	v47 =	vperm.xlane v34, v4;
	v6 =	vadd.s32 v6, v53;
	v53 =	vperm.xlane v37, v4  }
0x1ff: {  	[tilespmem:s14+$0x60] =	vst v8;
	v18 =	vperm.xlane v27, v5;
	v8 =	vperm.xlane v10, v5;
	v17 =	vadd.s32 v44, v52  }
0x200: {  	v44 =	vperm.xlane v24, v4;
	v52 =	vperm.xlane v26, v4;
	v22 =	vadd.s32 v57, v22  }
0x201: {  	s15 =	sadd.s32 $0x100, s15;
	v0 =	vadd.s32 v58, v0;
	v27 =	vperm.xlane v6, v4;
	v25 =	vsel vm0, v23, v25  }
0x202: {  	[tilespmem:s15+$0xFFFFFFD0] =	vst v36;
	v36 =	vperm.xlane v51, v3;
	v34 =	vadd.s32 v47, v34;
	v22 =	vperm.xlane v22, v5  }
0x203: {  	v11 =	vld.idx.msk [tilespmem:v11+s30+$0x0], $0xffff;
	v0 =	vperm.xlane v0, v5;
	v60 =	vadd.s32 v53, v37;
	v24 =	vadd.s32 v44, v24  }
0x204: {  	v1 =	vld.idx.msk [tilespmem:v1+s30+$0x0], $0xffff;
	v26 =	vadd.s32 v52, v26;
	v52 =	vperm.xlane v15, v4;
	v6 =	vadd.s32 v27, v6  }
0x205: {  	v36 =	vadd.s32 v51, v36;
	v51 =	vperm.xlane v33, v4;
	v24 =	vperm.xlane v24, v5  }
0x206: {  	v26 =	vperm.xlane v26, v5;
	v12 =	vsel vm0, v18, v22;
	v0 =	vsel vm0, v0, v16  }
0x207: {  	v13 =	vld.idx.msk [tilespmem:v13+s30+$0x0], $0xffff;
	v23 =	vperm.xlane v6, v5;
	v48 =	vperm.xlane v36, v4;
	v57 =	vadd.s32 v52, v15  }
0x208: {  	[tilespmem:s14+$0x20] =	vst v11;
	v15 =	vperm.xlane v30, v5;
	v22 =	vsel vm1, v61, v0;
	v18 =	vperm.xlane v57, v5  }
0x209: {  	v11 =	vadd.s32 v48, v36;
	[tilespmem:s15+$0x50] =	vst v1;
	v1 =	vshll.u32 v43, v2;
	v43 =	vperm.xlane v59, v3  }
0x20a: {  	v16 =	vsel vm0, v20, v15;
	v20 =	vperm.xlane v60, v5;
	v50 =	vperm.xlane v1, v3  }
0x20b: {  	v11 =	vperm.xlane v11, v5;
	v43 =	vadd.s32 v59, v43;
	v59 =	vperm.xlane v40, v4  }
0x20c: {  	s16 =	sadd.s32 $0x8, s16;
	v1 =	vadd.s32 v1, v50;
	v50 =	vadd.s32 v51, v33;
	v51 =	vperm.xlane v17, v4  }
0x20d: {  	p0 =	slt.u32 s16, $0x78;
	[tilespmem:s14+$0x10] =	vst v13;
	v13 =	vperm.xlane v43, v4;
	v55 =	vperm.xlane v1, v4;
	v21 =	vadd.s32 v59, v40  }
.Ltmp5:
0x20e: {  	v58 =	vperm.xlane v50, v5;
	v59 =	vperm.xlane v34, v5;
	v17 =	vadd.s32 v51, v17;
	(pc) =	sbr.rel @p0 .LBB2_11-.Ltmp5, $4  }
0x20f: {  	v13 =	vadd.s32 v13, v43;
	v10 =	vperm.xlane v21, v5;
	v21 =	vsel vm0, v9, v56  }
0x210: {  	v1 =	vadd.s32 v55, v1;
	v15 =	vsel vm0, v19, v58;
	v9 =	vperm.xlane v17, v5  }
0x211: {  	v17 =	vsel vm0, v24, v26;
	v19 =	vsel vm1, v59, v12;
	v13 =	vperm.xlane v13, v5  }
0x212: {  	s17 =	sadd.s32 $0x200, s17;
	s14 =	smov.u32 s15;
	v21 =	vsel vm1, v63, v21;
	v24 =	vsel vm1, v62, v25;
	v12 =	vperm.xlane v1, v5  }
0x213: {  	v0 =	vsel vm2, v18, v19  }
0x214: {  	v1 =	vsel vm2, v20, v22;
	v6 =	vadd.s32 v7, v0  }
0x215: {  	v53 =	vsel vm2, v23, v24;
	v54 =	vadd.s32 v7, v1  }
0x216: {  	v8 =	vsel vm1, v8, v16;
	v9 =	vsel vm2, v9, v21;
	v60 =	vld [tilespmem:$0x1FFC0];
	v55 =	vadd.s32 v7, v53  }
0x217: {  	v11 =	vsel vm1, v11, v15;
	v8 =	vsel vm2, v13, v8;
	v56 =	vadd.s32 v7, v9  }
0x218: {  	v10 =	vsel vm1, v10, v17;
	v11 =	vsel vm2, v14, v11;
	v57 =	vadd.s32 v7, v8  }
0x219: {  	v10 =	vsel vm2, v12, v10;
	v58 =	vadd.s32 v7, v11;
	v6 =	vld.idx.msk [tilespmem:v6+s30+$0x0], $0xffff  }
0x21a: {  	v7 =	vadd.s32 v7, v10;
	v59 =	vld.idx.msk [tilespmem:v54+s30+$0x0], $0xffff  }
0x21b: {  	v0 =	vadd.s32 v60, v0;
	v16 =	vld.idx.msk [tilespmem:v55+s30+$0x0], $0xffff  }
0x21c: {  	v1 =	vadd.s32 v60, v1;
	v13 =	vld.idx.msk [tilespmem:v56+s30+$0x0], $0xffff  }
0x21d: {  	v61 =	vadd.s32 v60, v53;
	v14 =	vld.idx.msk [tilespmem:v57+s30+$0x0], $0xffff  }
0x21e: {  	v9 =	vadd.s32 v60, v9;
	v12 =	vld.idx.msk [tilespmem:v58+s30+$0x0], $0xffff;
	[tilespmem:s14+$0xFFFFFF90] =	vst v6  }
0x21f: {  	v62 =	vadd.s32 v60, v11;
	v7 =	vld.idx.msk [tilespmem:v7+s30+$0x0], $0xffff;
	[tilespmem:s14+$0xFFFFFFB0] =	vst v59  }
0x220: {  	v6 =	vadd.s32 v60, v8;
	[tilespmem:s14+$0xFFFFFFF0] =	vst v16;
	v0 =	vld.idx.msk [tilespmem:v0+s30+$0x0], $0xffff  }
0x221: {  	v10 =	vadd.s32 v60, v10;
	[tilespmem:s14+$0xFFFFFF80] =	vst v13;
	v1 =	vld.idx.msk [tilespmem:v1+s30+$0x0], $0xffff  }
0x222: {  	[tilespmem:s14+$0xFFFFFFA0] =	vst v14;
	v63 =	vld.idx.msk [tilespmem:v61+s30+$0x0], $0xffff  }
0x223: {  	[tilespmem:s14+$0xFFFFFFC0] =	vst v12;
	v9 =	vld.idx.msk [tilespmem:v9+s30+$0x0], $0xffff  }
0x224: {  	[tilespmem:s14+$0xFFFFFFE0] =	vst v7;
	v7 =	vld.idx.msk [tilespmem:v62+s30+$0x0], $0xffff  }
0x225: {  	v6 =	vld.idx.msk [tilespmem:v6+s30+$0x0], $0xffff;
	[tilespmem:s14+$0x10] =	vst v0  }
0x226: {  	s11 =	sadd.s32 $0x1, s11;
	v0 =	vld.idx.msk [tilespmem:v10+s30+$0x0], $0xffff;
	[tilespmem:s14+$0x30] =	vst v1  }
0x227: {  	p0 =	sne.s32 s11, $0x40;
	[tilespmem:s14+$0x70] =	vst v63  }
.Ltmp6:
0x228: {  	[tilespmem:s14+$0x0] =	vst v9;
	(pc) =	sbr.rel @p0 .LBB2_4-.Ltmp6, $4  }
0x229: {  	s5 =	sshll.u32 s12, $0x9;
	[tilespmem:s14+$0x40] =	vst v7  }
0x22a: {  	s5 =	sand.u32 $0x1FFFFE00, s5;
	[tilespmem:s14+$0x20] =	vst v6  }
0x22b: {  	s5 =	sadd.s32 s3, s5;
	[tilespmem:s14+$0x60] =	vst v0  }
0x22c: {  	[hbm4b:s5+s4] =	stream.linear.scatter [tilespmem:s8], [sflag:$0x4], $0x1000, $0x38;
	[tilespmem:$0x8000] =	vst v63  }
0x22d: {  	s5 =	simm.s32 $0x3  }
0x22e: {  	_ =	swait.ge [sflag:s5], $0x1000  }
0x22f: {  	[sflag:s5] =	ssyncset.done $0x0  }
0x230: {  	[sflag:s5] =	ssyncadd.s32 $0xFFFFF000  }
0x231: {  	_ =	swait.ge [sflag:s7], $0x1000  }
0x232: {  	s9 =	rddreg [dreg:$0x16]  }
0x233: {  	s31 =	rddreg [dreg:$0x15];
	s9 =	sadd.s32 $0x1, s9  }
0x234: {  	p0 =	sne.s32 s9, s31  }
.Ltmp7:
0x235: {  	_ = 	snop;
	(pc) =	sbr.rel @p0 .LBB2_1-.Ltmp7, $3  }
0x236: {  	v1 =	vld [tilespmem:$0x1FFF0];
	_ =	sdelay $0x1  }
0x237: {  	[sflag:s7] =	ssyncset.done $0x0;
	v0 =	vld [tilespmem:$0x1FFE0]  }
0x238: {  	[sflag:s7] =	ssyncadd.s32 $0xFFFFF000  }
0x239: {  	_ =	sfence.sel $0x180000  }
0x23a: {  	[bflag:$0x0] =	sbarrier.arrive $0xFFFF  }
0x23b: {  	_ =	strace $0x90000047  }
0x23c: {  	s0 =	stileid.u32;
	[bflag:$0x2] =	sbarrier.arrive $0xFFFF  }
0x23d: {  	p0 =	sne.s32 s0, $0x0;
	s0 =	rddreg [dreg:$0x3]  }
0x23e: {  	s0 =	sadd.s32 @!p0 $0x100000, s0  }
0x23f: {  	[sflag:s0] =	ssyncadd.tile.s32 @!p0 $0x1;
	_ =	shalt  }
.Lfunc_end2:
_tile_overlayer_lowered:
.L_overlay_start_2:
0x240: {  	(tag) =	ssettag $0x2  }
0x241: {  	s0 =	rddreg [dreg:$0x0];
	s2 =	stileid.u32  }
0x242: {  	s1 =	rddreg [dreg:$0x1];
	p0 =	sne.s32 s2, $0x0  }
0x243: {  	s3 =	rddreg [dreg:$0x2];
	[bflag:$0x3] =	sbarrier.arrive $0xFFFF;
	s2 =	simm.s32 @!p0 $0x1C06  }
0x244: {  	[timem:s3], [sflag:s2] =	dma.local @!p0 [hbm:s0], s1  }
0x245: {  	s0 =	simm.s32 @!p0 $0x6  }
0x246: {  	_ =	swait.ge @!p0 [sflag:s0], s1  }
0x247: {  	s1 =	ssub.s32 @!p0 $0x0, s1;
	[sflag:s0] =	ssyncset.done @!p0 $0x0  }
0x248: {  	[sflag:s0] =	ssyncadd.s32 @!p0 s1  }
0x249: {  	[bflag:$0x3] =	sbarrier.arrive $0xFFFF  }
0x24a: {  	_ =	shalt  }

</sc_bundles>
